<compile_context>
chip_gen: v7x
topology: tpu7x:2x2x1
jax: 0.10.2.dev20260603
libtpu: 0.0.44.dev20260713+nightly
codegen_flags: <defaults>
</compile_context>

<pallas_src>
import jax
import jax.numpy as jnp
from jax import lax
from jax.experimental import pallas as pl
from jax.experimental.pallas import tpu as pltpu
from jax.experimental.pallas import tpu_sc as plsc

B = 16384
SPARSE_VOCAB = 1000
VOCAB_PAD = 1024
DENSE_VOCAB = 1000000
EMB_DIM = 64
HID = 50
OUT = 50
T_ROW = 128
HID_PAD = 64
QUAD = 4
GQ_ROWS = 262144
Q_SHIFT = 18

NC = 2
NS = 16
NW = NC * NS
B_PER_W = B // NW
CHUNK = 128
N_CHUNK = B_PER_W // CHUNK


def _precompute_body(ws1_ref, bs1_ref, ws2_ref, bs2_ref, t_ref):
    h = jnp.maximum(ws1_ref[...] + bs1_ref[...], 0.0)
    t_ref[...] = (
        jnp.dot(h, ws2_ref[...], preferred_element_type=jnp.float32)
        + bs2_ref[...]
    )


def _precompute_table(ws1p, bs1, ws2p, bs2p):
    return pl.pallas_call(
        _precompute_body,
        out_shape=jax.ShapeDtypeStruct((VOCAB_PAD, T_ROW), jnp.float32),
    )(ws1p, bs1, ws2p, bs2p)


_GBLK = 8192
_GOFF = GQ_ROWS // _GBLK
_GMAX = (DENSE_VOCAB - 1) // _GBLK


def _gbuild_body(et0_ref, et1_ref, et2_ref, et3_ref, wd1_ref, gq_ref):
    def dot_t(ref):
        x = lax.dot_general(ref[...], wd1_ref[...], (((0,), (0,)), ((), ())),
                            preferred_element_type=jnp.float32)
        return lax.bitcast_convert_type(x, jnp.uint32)

    b0, b1, b2, b3 = dot_t(et0_ref), dot_t(et1_ref), dot_t(et2_ref), \
        dot_t(et3_ref)
    p01 = ((b0 >> 16) << 16) | (b1 >> 16)
    p23 = ((b2 >> 16) << 16) | (b3 >> 16)
    gq_ref[...] = lax.bitcast_convert_type(
        jnp.concatenate([p01, p23], axis=1), jnp.int32)


def _gbuild(emb_t, wd1p):
    nblk = GQ_ROWS // _GBLK
    return pl.pallas_call(
        _gbuild_body,
        grid=(nblk,),
        in_specs=[
            pl.BlockSpec((EMB_DIM, _GBLK), lambda i: (0, i)),
            pl.BlockSpec((EMB_DIM, _GBLK), lambda i: (0, i + _GOFF)),
            pl.BlockSpec((EMB_DIM, _GBLK), lambda i: (0, i + 2 * _GOFF)),
            pl.BlockSpec((EMB_DIM, _GBLK),
                         lambda i: (0, jnp.minimum(i + 3 * _GOFF, _GMAX))),
            pl.BlockSpec((EMB_DIM, HID_PAD), lambda i: (0, 0)),
        ],
        out_specs=pl.BlockSpec((_GBLK, 2 * HID_PAD), lambda i: (i, 0)),
        out_shape=jax.ShapeDtypeStruct((GQ_ROWS, 2 * HID_PAD), jnp.int32),
    )(emb_t, emb_t, emb_t, emb_t, wd1p)


def _sc_gather_body(gq_hbm, qidx_hbm, t_hbm, sidx_hbm,
                    dpack_out, srow_out,
                    qidx_v, sidx_v, rows_v, sem):
    wid = lax.axis_index("s") * NC + lax.axis_index("c")
    base = wid * B_PER_W
    row0 = wid * N_CHUNK
    pltpu.sync_copy(qidx_hbm.at[pl.ds(row0, N_CHUNK)], qidx_v)
    pltpu.sync_copy(sidx_hbm.at[pl.ds(row0, N_CHUNK)], sidx_v)
    copies = [pltpu.async_copy(
        t_hbm.at[sidx_v.at[j]],
        rows_v.at[pl.ds(j * CHUNK, CHUNK)], sem) for j in range(N_CHUNK)]
    for cp in copies:
        cp.wait()
    pltpu.sync_copy(rows_v, srow_out.at[pl.ds(base, B_PER_W)])
    rows_i = rows_v.bitcast(jnp.int32)
    copies = [pltpu.async_copy(
        gq_hbm.at[qidx_v.at[j]],
        rows_i.at[pl.ds(j * CHUNK, CHUNK)], sem) for j in range(N_CHUNK)]
    for cp in copies:
        cp.wait()
    pltpu.sync_copy(rows_i, dpack_out.at[pl.ds(base, B_PER_W)])


def _sc_gather(gq_table, qidx2d, t_table, sidx2d):
    mesh = plsc.VectorSubcoreMesh(core_axis_name="c", subcore_axis_name="s")
    return pl.kernel(
        _sc_gather_body,
        mesh=mesh,
        out_type=[
            jax.ShapeDtypeStruct((B, T_ROW), jnp.int32),
            jax.ShapeDtypeStruct((B, T_ROW), jnp.float32),
        ],
        scratch_types=[
            pltpu.VMEM((N_CHUNK, CHUNK), jnp.int32),
            pltpu.VMEM((N_CHUNK, CHUNK), jnp.int32),
            pltpu.VMEM((B_PER_W, T_ROW), jnp.float32),
            pltpu.SemaphoreType.DMA,
        ],
    )(gq_table, qidx2d, t_table, sidx2d)


_MLP_BLOCK = 2048


def _mlp_body(sg_ref, gq_ref, sel_ref, bd1_ref, wd2_ref, bd2_ref,
              sout_ref, dout_ref):
    sout_ref[...] = sg_ref[:, :OUT]
    g = lax.bitcast_convert_type(gq_ref[...], jnp.uint32)
    sel = sel_ref[...]
    half = jnp.where(sel >= 2, g[:, HID_PAD:], g[:, :HID_PAD])
    bits = jnp.where((sel & 1) == 1, half << 16, (half >> 16) << 16)
    x = lax.bitcast_convert_type(bits, jnp.float32)
    h = jnp.maximum(x[:, :HID] + bd1_ref[...], 0.0)
    dout_ref[...] = (
        jnp.dot(h, wd2_ref[...], preferred_element_type=jnp.float32)
        + bd2_ref[...]
    )


def _mlp(s_rows, d_pack, sel, bd1, wd2, bd2):
    nblk = B // _MLP_BLOCK
    return pl.pallas_call(
        _mlp_body,
        grid=(nblk,),
        in_specs=[
            pl.BlockSpec((_MLP_BLOCK, T_ROW), lambda i: (i, 0)),
            pl.BlockSpec((_MLP_BLOCK, T_ROW), lambda i: (i, 0)),
            pl.BlockSpec((_MLP_BLOCK, 1), lambda i: (i, 0)),
            pl.BlockSpec((1, HID), lambda i: (0, 0)),
            pl.BlockSpec((HID, OUT), lambda i: (0, 0)),
            pl.BlockSpec((1, OUT), lambda i: (0, 0)),
        ],
        out_specs=[
            pl.BlockSpec((_MLP_BLOCK, OUT), lambda i: (i, 0)),
            pl.BlockSpec((_MLP_BLOCK, OUT), lambda i: (i, 0)),
        ],
        out_shape=[
            jax.ShapeDtypeStruct((B, OUT), jnp.float32),
            jax.ShapeDtypeStruct((B, OUT), jnp.float32),
        ],
    )(s_rows, d_pack, sel, bd1, wd2, bd2)


def kernel(sparse_col_inp, dense_col_inp, emb_table, Ws1, bs1, Ws2, bs2,
           Wd1, bd1, Wd2, bd2):
    sidx = sparse_col_inp.astype(jnp.int32).reshape(B // CHUNK, CHUNK)
    didx = dense_col_inp.astype(jnp.int32)
    qidx = (didx & (GQ_ROWS - 1)).reshape(B // CHUNK, CHUNK)
    sel = (didx >> Q_SHIFT).reshape(B, 1)
    ws1p = jnp.pad(Ws1, ((0, VOCAB_PAD - SPARSE_VOCAB), (0, 0)))
    ws2p = jnp.pad(Ws2, ((0, 0), (0, T_ROW - OUT)))
    bs2p = jnp.pad(bs2, (0, T_ROW - OUT))
    wd1p = jnp.pad(Wd1, ((0, 0), (0, HID_PAD - HID)))
    t_table = _precompute_table(ws1p, bs1.reshape(1, HID),
                                ws2p, bs2p.reshape(1, T_ROW))
    gq_table = _gbuild(emb_table.T, wd1p)
    d_pack, s_rows = _sc_gather(gq_table, qidx, t_table, sidx)
    sparse_out, dense_out = _mlp(s_rows, d_pack, sel,
                                 bd1.reshape(1, HID), Wd2,
                                 bd2.reshape(1, OUT))
    return (sparse_out, dense_out)

# --- scband reference (transcript-rebuilt; emitter-appended) ---
"""Pipeline reference for scband-multi-embed-transform-37108517437950 (READ-ONLY COPY).

The authoritative reference and input builder live on the scoring server;
editing this copy changes nothing except your own understanding.
"""

import jax, jax.numpy as jnp
import numpy as np

B = 16384
SPARSE_VOCAB = 1000
DENSE_VOCAB = 1000000
EMB_DIM = 64
HID = 50
OUT = 50


def setup_inputs(seed: int = 0) -> dict:
    key = jax.random.key(seed)
    ks = jax.random.split(key, 12)
    inp = {}
    inp["sparse_col_inp"] = jax.random.randint(ks[0], (B,), 0, SPARSE_VOCAB, dtype=jnp.int64 if jax.config.jax_enable_x64 else jnp.int32)
    inp["dense_col_inp"] = jax.random.randint(ks[1], (B,), 0, DENSE_VOCAB, dtype=jnp.int64 if jax.config.jax_enable_x64 else jnp.int32)
    inp["emb_table"] = (jax.random.normal(ks[2], (DENSE_VOCAB, EMB_DIM), dtype=jnp.float32) * 0.02)
    inp["Ws1"] = jax.random.normal(ks[3], (SPARSE_VOCAB, HID), dtype=jnp.float32) * 0.03
    inp["bs1"] = jnp.zeros((HID,), dtype=jnp.float32)
    inp["Ws2"] = jax.random.normal(ks[4], (HID, OUT), dtype=jnp.float32) * 0.1
    inp["bs2"] = jnp.zeros((OUT,), dtype=jnp.float32)
    inp["Wd1"] = jax.random.normal(ks[5], (EMB_DIM, HID), dtype=jnp.float32) * 0.1
    inp["bd1"] = jnp.zeros((HID,), dtype=jnp.float32)
    inp["Wd2"] = jax.random.normal(ks[6], (HID, OUT), dtype=jnp.float32) * 0.1
    inp["bd2"] = jnp.zeros((OUT,), dtype=jnp.float32)
    return inp


def _dense_block(x, W1, b1, W2, b2):
    # Linear -> ReLU -> Dropout(eval: identity) -> Linear
    # terminal_non_linearity=False, terminal_dropout=False
    h = jnp.maximum(x @ W1 + b1, 0.0)
    return h @ W2 + b2


def reference(sparse_col_inp, dense_col_inp, emb_table, Ws1, bs1, Ws2, bs2, Wd1, bd1, Wd2, bd2):
    # sparse path: one-hot embedding (emb weight = identity of size SPARSE_VOCAB)
    oh = jax.nn.one_hot(sparse_col_inp, SPARSE_VOCAB, dtype=jnp.float32)
    sparse_out = _dense_block(oh, Ws1, bs1, Ws2, bs2)
    # dense path: distributional embedding gather
    d_emb = jnp.take(emb_table, dense_col_inp, axis=0)
    dense_out = _dense_block(d_emb, Wd1, bd1, Wd2, bd2)
    # forward returns (sparse_col_inp, dense_col_inp) with lists transformed in-place;
    # with one column each this is the pair of transformed tensors.
    return (sparse_out, dense_out)

if __name__ == "__main__":
    import jax
    _d = setup_inputs()
    print(jax.jit(kernel)(*tuple(_d.values())))

</pallas_src>

<mosaic_0001>
#map = affine_map<(d0, d1) -> (0, 0)>
module attributes {stable_mosaic.version = 14 : i64} {
  func.func @_sc_gather_body(%arg0: i32, %arg1: i32, %arg2: memref<262144x128xi32, #tpu.memory_space<hbm>>, %arg3: memref<128x128xi32, #tpu.memory_space<hbm>>, %arg4: memref<1024x128xf32, #tpu.memory_space<hbm>>, %arg5: memref<128x128xi32, #tpu.memory_space<hbm>>, %arg6: memref<16384x128xi32, #tpu.memory_space<hbm>>, %arg7: memref<16384x128xf32, #tpu.memory_space<hbm>>, %arg8: memref<4x128xi32, #tpu.memory_space<vmem>>, %arg9: memref<4x128xi32, #tpu.memory_space<vmem>>, %arg10: memref<512x128xf32, #tpu.memory_space<vmem>>, %arg11: memref<!tpu.dma_semaphore, #tpu.memory_space<semaphore_mem>>) attributes {dimension_semantics = [#tpu.dimension_semantics<core_parallel>, #tpu.dimension_semantics<subcore_parallel>], iteration_bounds = array<i64: 2, 16>, scalar_prefetch = 0 : i64, scratch_operands = 4 : i64, tpu.core_type = #tpu.core_type<sc_vector_subcore>, window_params = [{transform_indices = #map}, {transform_indices = #map}, {transform_indices = #map}, {transform_indices = #map}, {transform_indices = #map}, {transform_indices = #map}]} {
    %mul3A = arith.constant 2 : i32
    %mul3A_0 = arith.muli %arg1, %mul3A : i32
    %add3A = arith.addi %mul3A_0, %arg0 : i32
    %mul3A_1 = arith.constant 512 : i32
    %mul3A_2 = arith.muli %add3A, %mul3A_1 : i32
    %mul3A_3 = arith.constant 4 : i32
    %mul3A_4 = arith.muli %add3A, %mul3A_3 : i32
    "tpu.region"() ({
      %run_scoped3A = tpu.sem_alloc : memref<!tpu.dma_semaphore, #tpu.memory_space<semaphore_mem>>
      %dma_start3A_171 = arith.constant 0 : i32
      %dma_start3A_172 = tpu.memref_slice %arg3[%mul3A_4, %dma_start3A_171] : memref<128x128xi32, #tpu.memory_space<hbm>> -> memref<4x128xi32, #tpu.memory_space<hbm>>
      %dma_start3A_173 = arith.constant 0 : i32
      %dma_start3A_174 = tpu.memref_slice %arg3[%mul3A_4, %dma_start3A_173] : memref<128x128xi32, #tpu.memory_space<hbm>> -> memref<4x128xi32, #tpu.memory_space<hbm>>
      tpu.enqueue_dma source(%dma_start3A_174 : memref<4x128xi32, #tpu.memory_space<hbm>>) target(%arg8 : memref<4x128xi32, #tpu.memory_space<vmem>>) target_semaphore(%run_scoped3A : memref<!tpu.dma_semaphore, #tpu.memory_space<semaphore_mem>>)
      %dma_wait3A_175 = arith.constant 0 : i32
      %dma_wait3A_176 = tpu.memref_slice %arg3[%mul3A_4, %dma_wait3A_175] : memref<128x128xi32, #tpu.memory_space<hbm>> -> memref<4x128xi32, #tpu.memory_space<hbm>>
      %dma_wait3A_177 = arith.constant 0 : i32
      %dma_wait3A_178 = tpu.memref_slice %arg3[%mul3A_4, %dma_wait3A_177] : memref<128x128xi32, #tpu.memory_space<hbm>> -> memref<4x128xi32, #tpu.memory_space<hbm>>
      tpu.wait_dma2 semaphore(%run_scoped3A : memref<!tpu.dma_semaphore, #tpu.memory_space<semaphore_mem>>) src(%dma_wait3A_178 : memref<4x128xi32, #tpu.memory_space<hbm>>) dst(%arg8 : memref<4x128xi32, #tpu.memory_space<vmem>>)
      tpu.yield
    }) : () -> ()
    "tpu.region"() ({
      %run_scoped3A = tpu.sem_alloc : memref<!tpu.dma_semaphore, #tpu.memory_space<semaphore_mem>>
      %dma_start3A_171 = arith.constant 0 : i32
      %dma_start3A_172 = tpu.memref_slice %arg5[%mul3A_4, %dma_start3A_171] : memref<128x128xi32, #tpu.memory_space<hbm>> -> memref<4x128xi32, #tpu.memory_space<hbm>>
      %dma_start3A_173 = arith.constant 0 : i32
      %dma_start3A_174 = tpu.memref_slice %arg5[%mul3A_4, %dma_start3A_173] : memref<128x128xi32, #tpu.memory_space<hbm>> -> memref<4x128xi32, #tpu.memory_space<hbm>>
      tpu.enqueue_dma source(%dma_start3A_174 : memref<4x128xi32, #tpu.memory_space<hbm>>) target(%arg9 : memref<4x128xi32, #tpu.memory_space<vmem>>) target_semaphore(%run_scoped3A : memref<!tpu.dma_semaphore, #tpu.memory_space<semaphore_mem>>)
      %dma_wait3A_175 = arith.constant 0 : i32
      %dma_wait3A_176 = tpu.memref_slice %arg5[%mul3A_4, %dma_wait3A_175] : memref<128x128xi32, #tpu.memory_space<hbm>> -> memref<4x128xi32, #tpu.memory_space<hbm>>
      %dma_wait3A_177 = arith.constant 0 : i32
      %dma_wait3A_178 = tpu.memref_slice %arg5[%mul3A_4, %dma_wait3A_177] : memref<128x128xi32, #tpu.memory_space<hbm>> -> memref<4x128xi32, #tpu.memory_space<hbm>>
      tpu.wait_dma2 semaphore(%run_scoped3A : memref<!tpu.dma_semaphore, #tpu.memory_space<semaphore_mem>>) src(%dma_wait3A_178 : memref<4x128xi32, #tpu.memory_space<hbm>>) dst(%arg9 : memref<4x128xi32, #tpu.memory_space<vmem>>)
      tpu.yield
    }) : () -> ()
    %dma_start3A = arith.constant 0 : i32
    %dma_start3A_5 = arith.constant 0 : i32
    %dma_start3A_6 = arith.constant 0 : i32
    %dma_start3A_7 = tpu.memref_slice %arg10[%dma_start3A_5, %dma_start3A_6] : memref<512x128xf32, #tpu.memory_space<vmem>> -> memref<128x128xf32, #tpu.memory_space<vmem>>
    %dma_start3A_8 = arith.constant 0 : i32
    %dma_start3A_9 = tpu.memref_slice %arg9[%dma_start3A, %dma_start3A_8] : memref<4x128xi32, #tpu.memory_space<vmem>> -> memref<1x128xi32, #tpu.memory_space<vmem>>
    %dma_start3A_10 = tpu.memref_squeeze %dma_start3A_9 : memref<1x128xi32, #tpu.memory_space<vmem>> -> memref<128xi32, #tpu.memory_space<vmem>>
    %dma_start3A_11 = arith.constant 0 : i32
    %dma_start3A_12 = arith.constant 0 : i32
    %dma_start3A_13 = tpu.memref_slice %arg4[%dma_start3A_11, %dma_start3A_12] : memref<1024x128xf32, #tpu.memory_space<hbm>> -> memref<1024x128xf32, #tpu.memory_space<hbm>>
    tpu.enqueue_indirect_dma source(%dma_start3A_13 : memref<1024x128xf32, #tpu.memory_space<hbm>>) target(%dma_start3A_7 : memref<128x128xf32, #tpu.memory_space<vmem>>) offsets(%dma_start3A_10 : memref<128xi32, #tpu.memory_space<vmem>>) semaphore(%arg11 : memref<!tpu.dma_semaphore, #tpu.memory_space<semaphore_mem>>)
    %dma_start3A_14 = arith.constant 1 : i32
    %dma_start3A_15 = arith.constant 128 : i32
    %dma_start3A_16 = arith.constant 0 : i32
    %dma_start3A_17 = tpu.memref_slice %arg10[%dma_start3A_15, %dma_start3A_16] : memref<512x128xf32, #tpu.memory_space<vmem>> -> memref<128x128xf32, #tpu.memory_space<vmem>>
    %dma_start3A_18 = arith.constant 0 : i32
    %dma_start3A_19 = tpu.memref_slice %arg9[%dma_start3A_14, %dma_start3A_18] : memref<4x128xi32, #tpu.memory_space<vmem>> -> memref<1x128xi32, #tpu.memory_space<vmem>>
    %dma_start3A_20 = tpu.memref_squeeze %dma_start3A_19 : memref<1x128xi32, #tpu.memory_space<vmem>> -> memref<128xi32, #tpu.memory_space<vmem>>
    %dma_start3A_21 = arith.constant 0 : i32
    %dma_start3A_22 = arith.constant 0 : i32
    %dma_start3A_23 = tpu.memref_slice %arg4[%dma_start3A_21, %dma_start3A_22] : memref<1024x128xf32, #tpu.memory_space<hbm>> -> memref<1024x128xf32, #tpu.memory_space<hbm>>
    tpu.enqueue_indirect_dma source(%dma_start3A_23 : memref<1024x128xf32, #tpu.memory_space<hbm>>) target(%dma_start3A_17 : memref<128x128xf32, #tpu.memory_space<vmem>>) offsets(%dma_start3A_20 : memref<128xi32, #tpu.memory_space<vmem>>) semaphore(%arg11 : memref<!tpu.dma_semaphore, #tpu.memory_space<semaphore_mem>>)
    %dma_start3A_24 = arith.constant 2 : i32
    %dma_start3A_25 = arith.constant 256 : i32
    %dma_start3A_26 = arith.constant 0 : i32
    %dma_start3A_27 = tpu.memref_slice %arg10[%dma_start3A_25, %dma_start3A_26] : memref<512x128xf32, #tpu.memory_space<vmem>> -> memref<128x128xf32, #tpu.memory_space<vmem>>
    %dma_start3A_28 = arith.constant 0 : i32
    %dma_start3A_29 = tpu.memref_slice %arg9[%dma_start3A_24, %dma_start3A_28] : memref<4x128xi32, #tpu.memory_space<vmem>> -> memref<1x128xi32, #tpu.memory_space<vmem>>
    %dma_start3A_30 = tpu.memref_squeeze %dma_start3A_29 : memref<1x128xi32, #tpu.memory_space<vmem>> -> memref<128xi32, #tpu.memory_space<vmem>>
    %dma_start3A_31 = arith.constant 0 : i32
    %dma_start3A_32 = arith.constant 0 : i32
    %dma_start3A_33 = tpu.memref_slice %arg4[%dma_start3A_31, %dma_start3A_32] : memref<1024x128xf32, #tpu.memory_space<hbm>> -> memref<1024x128xf32, #tpu.memory_space<hbm>>
    tpu.enqueue_indirect_dma source(%dma_start3A_33 : memref<1024x128xf32, #tpu.memory_space<hbm>>) target(%dma_start3A_27 : memref<128x128xf32, #tpu.memory_space<vmem>>) offsets(%dma_start3A_30 : memref<128xi32, #tpu.memory_space<vmem>>) semaphore(%arg11 : memref<!tpu.dma_semaphore, #tpu.memory_space<semaphore_mem>>)
    %dma_start3A_34 = arith.constant 3 : i32
    %dma_start3A_35 = arith.constant 384 : i32
    %dma_start3A_36 = arith.constant 0 : i32
    %dma_start3A_37 = tpu.memref_slice %arg10[%dma_start3A_35, %dma_start3A_36] : memref<512x128xf32, #tpu.memory_space<vmem>> -> memref<128x128xf32, #tpu.memory_space<vmem>>
    %dma_start3A_38 = arith.constant 0 : i32
    %dma_start3A_39 = tpu.memref_slice %arg9[%dma_start3A_34, %dma_start3A_38] : memref<4x128xi32, #tpu.memory_space<vmem>> -> memref<1x128xi32, #tpu.memory_space<vmem>>
    %dma_start3A_40 = tpu.memref_squeeze %dma_start3A_39 : memref<1x128xi32, #tpu.memory_space<vmem>> -> memref<128xi32, #tpu.memory_space<vmem>>
    %dma_start3A_41 = arith.constant 0 : i32
    %dma_start3A_42 = arith.constant 0 : i32
    %dma_start3A_43 = tpu.memref_slice %arg4[%dma_start3A_41, %dma_start3A_42] : memref<1024x128xf32, #tpu.memory_space<hbm>> -> memref<1024x128xf32, #tpu.memory_space<hbm>>
    tpu.enqueue_indirect_dma source(%dma_start3A_43 : memref<1024x128xf32, #tpu.memory_space<hbm>>) target(%dma_start3A_37 : memref<128x128xf32, #tpu.memory_space<vmem>>) offsets(%dma_start3A_40 : memref<128xi32, #tpu.memory_space<vmem>>) semaphore(%arg11 : memref<!tpu.dma_semaphore, #tpu.memory_space<semaphore_mem>>)
    %dma_wait3A = arith.constant 0 : i32
    %dma_wait3A_44 = arith.constant 0 : i32
    %dma_wait3A_45 = arith.constant 0 : i32
    %dma_wait3A_46 = tpu.memref_slice %arg10[%dma_wait3A_44, %dma_wait3A_45] : memref<512x128xf32, #tpu.memory_space<vmem>> -> memref<128x128xf32, #tpu.memory_space<vmem>>
    %dma_wait3A_47 = arith.constant 0 : i32
    %dma_wait3A_48 = tpu.memref_slice %arg9[%dma_wait3A, %dma_wait3A_47] : memref<4x128xi32, #tpu.memory_space<vmem>> -> memref<1x128xi32, #tpu.memory_space<vmem>>
    %dma_wait3A_49 = tpu.memref_squeeze %dma_wait3A_48 : memref<1x128xi32, #tpu.memory_space<vmem>> -> memref<128xi32, #tpu.memory_space<vmem>>
    %dma_wait3A_50 = arith.constant 0 : i32
    %dma_wait3A_51 = arith.constant 0 : i32
    %dma_wait3A_52 = tpu.memref_slice %arg4[%dma_wait3A_50, %dma_wait3A_51] : memref<1024x128xf32, #tpu.memory_space<hbm>> -> memref<1024x128xf32, #tpu.memory_space<hbm>>
    tpu.wait_indirect_dma semaphore(%arg11 : memref<!tpu.dma_semaphore, #tpu.memory_space<semaphore_mem>>) src(%dma_wait3A_52 : memref<1024x128xf32, #tpu.memory_space<hbm>>) dst(%dma_wait3A_46 : memref<128x128xf32, #tpu.memory_space<vmem>>)
    %dma_wait3A_53 = arith.constant 1 : i32
    %dma_wait3A_54 = arith.constant 128 : i32
    %dma_wait3A_55 = arith.constant 0 : i32
    %dma_wait3A_56 = tpu.memref_slice %arg10[%dma_wait3A_54, %dma_wait3A_55] : memref<512x128xf32, #tpu.memory_space<vmem>> -> memref<128x128xf32, #tpu.memory_space<vmem>>
    %dma_wait3A_57 = arith.constant 0 : i32
    %dma_wait3A_58 = tpu.memref_slice %arg9[%dma_wait3A_53, %dma_wait3A_57] : memref<4x128xi32, #tpu.memory_space<vmem>> -> memref<1x128xi32, #tpu.memory_space<vmem>>
    %dma_wait3A_59 = tpu.memref_squeeze %dma_wait3A_58 : memref<1x128xi32, #tpu.memory_space<vmem>> -> memref<128xi32, #tpu.memory_space<vmem>>
    %dma_wait3A_60 = arith.constant 0 : i32
    %dma_wait3A_61 = arith.constant 0 : i32
    %dma_wait3A_62 = tpu.memref_slice %arg4[%dma_wait3A_60, %dma_wait3A_61] : memref<1024x128xf32, #tpu.memory_space<hbm>> -> memref<1024x128xf32, #tpu.memory_space<hbm>>
    tpu.wait_indirect_dma semaphore(%arg11 : memref<!tpu.dma_semaphore, #tpu.memory_space<semaphore_mem>>) src(%dma_wait3A_62 : memref<1024x128xf32, #tpu.memory_space<hbm>>) dst(%dma_wait3A_56 : memref<128x128xf32, #tpu.memory_space<vmem>>)
    %dma_wait3A_63 = arith.constant 2 : i32
    %dma_wait3A_64 = arith.constant 256 : i32
    %dma_wait3A_65 = arith.constant 0 : i32
    %dma_wait3A_66 = tpu.memref_slice %arg10[%dma_wait3A_64, %dma_wait3A_65] : memref<512x128xf32, #tpu.memory_space<vmem>> -> memref<128x128xf32, #tpu.memory_space<vmem>>
    %dma_wait3A_67 = arith.constant 0 : i32
    %dma_wait3A_68 = tpu.memref_slice %arg9[%dma_wait3A_63, %dma_wait3A_67] : memref<4x128xi32, #tpu.memory_space<vmem>> -> memref<1x128xi32, #tpu.memory_space<vmem>>
    %dma_wait3A_69 = tpu.memref_squeeze %dma_wait3A_68 : memref<1x128xi32, #tpu.memory_space<vmem>> -> memref<128xi32, #tpu.memory_space<vmem>>
    %dma_wait3A_70 = arith.constant 0 : i32
    %dma_wait3A_71 = arith.constant 0 : i32
    %dma_wait3A_72 = tpu.memref_slice %arg4[%dma_wait3A_70, %dma_wait3A_71] : memref<1024x128xf32, #tpu.memory_space<hbm>> -> memref<1024x128xf32, #tpu.memory_space<hbm>>
    tpu.wait_indirect_dma semaphore(%arg11 : memref<!tpu.dma_semaphore, #tpu.memory_space<semaphore_mem>>) src(%dma_wait3A_72 : memref<1024x128xf32, #tpu.memory_space<hbm>>) dst(%dma_wait3A_66 : memref<128x128xf32, #tpu.memory_space<vmem>>)
    %dma_wait3A_73 = arith.constant 3 : i32
    %dma_wait3A_74 = arith.constant 384 : i32
    %dma_wait3A_75 = arith.constant 0 : i32
    %dma_wait3A_76 = tpu.memref_slice %arg10[%dma_wait3A_74, %dma_wait3A_75] : memref<512x128xf32, #tpu.memory_space<vmem>> -> memref<128x128xf32, #tpu.memory_space<vmem>>
    %dma_wait3A_77 = arith.constant 0 : i32
    %dma_wait3A_78 = tpu.memref_slice %arg9[%dma_wait3A_73, %dma_wait3A_77] : memref<4x128xi32, #tpu.memory_space<vmem>> -> memref<1x128xi32, #tpu.memory_space<vmem>>
    %dma_wait3A_79 = tpu.memref_squeeze %dma_wait3A_78 : memref<1x128xi32, #tpu.memory_space<vmem>> -> memref<128xi32, #tpu.memory_space<vmem>>
    %dma_wait3A_80 = arith.constant 0 : i32
    %dma_wait3A_81 = arith.constant 0 : i32
    %dma_wait3A_82 = tpu.memref_slice %arg4[%dma_wait3A_80, %dma_wait3A_81] : memref<1024x128xf32, #tpu.memory_space<hbm>> -> memref<1024x128xf32, #tpu.memory_space<hbm>>
    tpu.wait_indirect_dma semaphore(%arg11 : memref<!tpu.dma_semaphore, #tpu.memory_space<semaphore_mem>>) src(%dma_wait3A_82 : memref<1024x128xf32, #tpu.memory_space<hbm>>) dst(%dma_wait3A_76 : memref<128x128xf32, #tpu.memory_space<vmem>>)
    "tpu.region"() ({
      %run_scoped3A = tpu.sem_alloc : memref<!tpu.dma_semaphore, #tpu.memory_space<semaphore_mem>>
      %dma_start3A_171 = arith.constant 0 : i32
      %dma_start3A_172 = tpu.memref_slice %arg7[%mul3A_2, %dma_start3A_171] : memref<16384x128xf32, #tpu.memory_space<hbm>> -> memref<512x128xf32, #tpu.memory_space<hbm>>
      %dma_start3A_173 = arith.constant 0 : i32
      %dma_start3A_174 = tpu.memref_slice %arg7[%mul3A_2, %dma_start3A_173] : memref<16384x128xf32, #tpu.memory_space<hbm>> -> memref<512x128xf32, #tpu.memory_space<hbm>>
      tpu.enqueue_dma source(%arg10 : memref<512x128xf32, #tpu.memory_space<vmem>>) target(%dma_start3A_174 : memref<512x128xf32, #tpu.memory_space<hbm>>) target_semaphore(%run_scoped3A : memref<!tpu.dma_semaphore, #tpu.memory_space<semaphore_mem>>)
      %dma_wait3A_175 = arith.constant 0 : i32
      %dma_wait3A_176 = tpu.memref_slice %arg7[%mul3A_2, %dma_wait3A_175] : memref<16384x128xf32, #tpu.memory_space<hbm>> -> memref<512x128xf32, #tpu.memory_space<hbm>>
      %dma_wait3A_177 = arith.constant 0 : i32
      %dma_wait3A_178 = tpu.memref_slice %arg7[%mul3A_2, %dma_wait3A_177] : memref<16384x128xf32, #tpu.memory_space<hbm>> -> memref<512x128xf32, #tpu.memory_space<hbm>>
      tpu.wait_dma2 semaphore(%run_scoped3A : memref<!tpu.dma_semaphore, #tpu.memory_space<semaphore_mem>>) src(%arg10 : memref<512x128xf32, #tpu.memory_space<vmem>>) dst(%dma_wait3A_178 : memref<512x128xf32, #tpu.memory_space<hbm>>)
      tpu.yield
    }) : () -> ()
    %dma_start3A_83 = arith.constant 0 : i32
    %dma_start3A_84 = tpu.memref_bitcast %arg10 : memref<512x128xf32, #tpu.memory_space<vmem>> -> memref<512x128xi32, #tpu.memory_space<vmem>>
    %dma_start3A_85 = arith.constant 0 : i32
    %dma_start3A_86 = arith.constant 0 : i32
    %dma_start3A_87 = tpu.memref_slice %dma_start3A_84[%dma_start3A_85, %dma_start3A_86] : memref<512x128xi32, #tpu.memory_space<vmem>> -> memref<128x128xi32, #tpu.memory_space<vmem>>
    %dma_start3A_88 = arith.constant 0 : i32
    %dma_start3A_89 = tpu.memref_slice %arg8[%dma_start3A_83, %dma_start3A_88] : memref<4x128xi32, #tpu.memory_space<vmem>> -> memref<1x128xi32, #tpu.memory_space<vmem>>
    %dma_start3A_90 = tpu.memref_squeeze %dma_start3A_89 : memref<1x128xi32, #tpu.memory_space<vmem>> -> memref<128xi32, #tpu.memory_space<vmem>>
    %dma_start3A_91 = arith.constant 0 : i32
    %dma_start3A_92 = arith.constant 0 : i32
    %dma_start3A_93 = tpu.memref_slice %arg2[%dma_start3A_91, %dma_start3A_92] : memref<262144x128xi32, #tpu.memory_space<hbm>> -> memref<262144x128xi32, #tpu.memory_space<hbm>>
    tpu.enqueue_indirect_dma source(%dma_start3A_93 : memref<262144x128xi32, #tpu.memory_space<hbm>>) target(%dma_start3A_87 : memref<128x128xi32, #tpu.memory_space<vmem>>) offsets(%dma_start3A_90 : memref<128xi32, #tpu.memory_space<vmem>>) semaphore(%arg11 : memref<!tpu.dma_semaphore, #tpu.memory_space<semaphore_mem>>)
    %dma_start3A_94 = arith.constant 1 : i32
    %dma_start3A_95 = tpu.memref_bitcast %arg10 : memref<512x128xf32, #tpu.memory_space<vmem>> -> memref<512x128xi32, #tpu.memory_space<vmem>>
    %dma_start3A_96 = arith.constant 128 : i32
    %dma_start3A_97 = arith.constant 0 : i32
    %dma_start3A_98 = tpu.memref_slice %dma_start3A_95[%dma_start3A_96, %dma_start3A_97] : memref<512x128xi32, #tpu.memory_space<vmem>> -> memref<128x128xi32, #tpu.memory_space<vmem>>
    %dma_start3A_99 = arith.constant 0 : i32
    %dma_start3A_100 = tpu.memref_slice %arg8[%dma_start3A_94, %dma_start3A_99] : memref<4x128xi32, #tpu.memory_space<vmem>> -> memref<1x128xi32, #tpu.memory_space<vmem>>
    %dma_start3A_101 = tpu.memref_squeeze %dma_start3A_100 : memref<1x128xi32, #tpu.memory_space<vmem>> -> memref<128xi32, #tpu.memory_space<vmem>>
    %dma_start3A_102 = arith.constant 0 : i32
    %dma_start3A_103 = arith.constant 0 : i32
    %dma_start3A_104 = tpu.memref_slice %arg2[%dma_start3A_102, %dma_start3A_103] : memref<262144x128xi32, #tpu.memory_space<hbm>> -> memref<262144x128xi32, #tpu.memory_space<hbm>>
    tpu.enqueue_indirect_dma source(%dma_start3A_104 : memref<262144x128xi32, #tpu.memory_space<hbm>>) target(%dma_start3A_98 : memref<128x128xi32, #tpu.memory_space<vmem>>) offsets(%dma_start3A_101 : memref<128xi32, #tpu.memory_space<vmem>>) semaphore(%arg11 : memref<!tpu.dma_semaphore, #tpu.memory_space<semaphore_mem>>)
    %dma_start3A_105 = arith.constant 2 : i32
    %dma_start3A_106 = tpu.memref_bitcast %arg10 : memref<512x128xf32, #tpu.memory_space<vmem>> -> memref<512x128xi32, #tpu.memory_space<vmem>>
    %dma_start3A_107 = arith.constant 256 : i32
    %dma_start3A_108 = arith.constant 0 : i32
    %dma_start3A_109 = tpu.memref_slice %dma_start3A_106[%dma_start3A_107, %dma_start3A_108] : memref<512x128xi32, #tpu.memory_space<vmem>> -> memref<128x128xi32, #tpu.memory_space<vmem>>
    %dma_start3A_110 = arith.constant 0 : i32
    %dma_start3A_111 = tpu.memref_slice %arg8[%dma_start3A_105, %dma_start3A_110] : memref<4x128xi32, #tpu.memory_space<vmem>> -> memref<1x128xi32, #tpu.memory_space<vmem>>
    %dma_start3A_112 = tpu.memref_squeeze %dma_start3A_111 : memref<1x128xi32, #tpu.memory_space<vmem>> -> memref<128xi32, #tpu.memory_space<vmem>>
    %dma_start3A_113 = arith.constant 0 : i32
    %dma_start3A_114 = arith.constant 0 : i32
    %dma_start3A_115 = tpu.memref_slice %arg2[%dma_start3A_113, %dma_start3A_114] : memref<262144x128xi32, #tpu.memory_space<hbm>> -> memref<262144x128xi32, #tpu.memory_space<hbm>>
    tpu.enqueue_indirect_dma source(%dma_start3A_115 : memref<262144x128xi32, #tpu.memory_space<hbm>>) target(%dma_start3A_109 : memref<128x128xi32, #tpu.memory_space<vmem>>) offsets(%dma_start3A_112 : memref<128xi32, #tpu.memory_space<vmem>>) semaphore(%arg11 : memref<!tpu.dma_semaphore, #tpu.memory_space<semaphore_mem>>)
    %dma_start3A_116 = arith.constant 3 : i32
    %dma_start3A_117 = tpu.memref_bitcast %arg10 : memref<512x128xf32, #tpu.memory_space<vmem>> -> memref<512x128xi32, #tpu.memory_space<vmem>>
    %dma_start3A_118 = arith.constant 384 : i32
    %dma_start3A_119 = arith.constant 0 : i32
    %dma_start3A_120 = tpu.memref_slice %dma_start3A_117[%dma_start3A_118, %dma_start3A_119] : memref<512x128xi32, #tpu.memory_space<vmem>> -> memref<128x128xi32, #tpu.memory_space<vmem>>
    %dma_start3A_121 = arith.constant 0 : i32
    %dma_start3A_122 = tpu.memref_slice %arg8[%dma_start3A_116, %dma_start3A_121] : memref<4x128xi32, #tpu.memory_space<vmem>> -> memref<1x128xi32, #tpu.memory_space<vmem>>
    %dma_start3A_123 = tpu.memref_squeeze %dma_start3A_122 : memref<1x128xi32, #tpu.memory_space<vmem>> -> memref<128xi32, #tpu.memory_space<vmem>>
    %dma_start3A_124 = arith.constant 0 : i32
    %dma_start3A_125 = arith.constant 0 : i32
    %dma_start3A_126 = tpu.memref_slice %arg2[%dma_start3A_124, %dma_start3A_125] : memref<262144x128xi32, #tpu.memory_space<hbm>> -> memref<262144x128xi32, #tpu.memory_space<hbm>>
    tpu.enqueue_indirect_dma source(%dma_start3A_126 : memref<262144x128xi32, #tpu.memory_space<hbm>>) target(%dma_start3A_120 : memref<128x128xi32, #tpu.memory_space<vmem>>) offsets(%dma_start3A_123 : memref<128xi32, #tpu.memory_space<vmem>>) semaphore(%arg11 : memref<!tpu.dma_semaphore, #tpu.memory_space<semaphore_mem>>)
    %dma_wait3A_127 = arith.constant 0 : i32
    %dma_wait3A_128 = tpu.memref_bitcast %arg10 : memref<512x128xf32, #tpu.memory_space<vmem>> -> memref<512x128xi32, #tpu.memory_space<vmem>>
    %dma_wait3A_129 = arith.constant 0 : i32
    %dma_wait3A_130 = arith.constant 0 : i32
    %dma_wait3A_131 = tpu.memref_slice %dma_wait3A_128[%dma_wait3A_129, %dma_wait3A_130] : memref<512x128xi32, #tpu.memory_space<vmem>> -> memref<128x128xi32, #tpu.memory_space<vmem>>
    %dma_wait3A_132 = arith.constant 0 : i32
    %dma_wait3A_133 = tpu.memref_slice %arg8[%dma_wait3A_127, %dma_wait3A_132] : memref<4x128xi32, #tpu.memory_space<vmem>> -> memref<1x128xi32, #tpu.memory_space<vmem>>
    %dma_wait3A_134 = tpu.memref_squeeze %dma_wait3A_133 : memref<1x128xi32, #tpu.memory_space<vmem>> -> memref<128xi32, #tpu.memory_space<vmem>>
    %dma_wait3A_135 = arith.constant 0 : i32
    %dma_wait3A_136 = arith.constant 0 : i32
    %dma_wait3A_137 = tpu.memref_slice %arg2[%dma_wait3A_135, %dma_wait3A_136] : memref<262144x128xi32, #tpu.memory_space<hbm>> -> memref<262144x128xi32, #tpu.memory_space<hbm>>
    tpu.wait_indirect_dma semaphore(%arg11 : memref<!tpu.dma_semaphore, #tpu.memory_space<semaphore_mem>>) src(%dma_wait3A_137 : memref<262144x128xi32, #tpu.memory_space<hbm>>) dst(%dma_wait3A_131 : memref<128x128xi32, #tpu.memory_space<vmem>>)
    %dma_wait3A_138 = arith.constant 1 : i32
    %dma_wait3A_139 = tpu.memref_bitcast %arg10 : memref<512x128xf32, #tpu.memory_space<vmem>> -> memref<512x128xi32, #tpu.memory_space<vmem>>
    %dma_wait3A_140 = arith.constant 128 : i32
    %dma_wait3A_141 = arith.constant 0 : i32
    %dma_wait3A_142 = tpu.memref_slice %dma_wait3A_139[%dma_wait3A_140, %dma_wait3A_141] : memref<512x128xi32, #tpu.memory_space<vmem>> -> memref<128x128xi32, #tpu.memory_space<vmem>>
    %dma_wait3A_143 = arith.constant 0 : i32
    %dma_wait3A_144 = tpu.memref_slice %arg8[%dma_wait3A_138, %dma_wait3A_143] : memref<4x128xi32, #tpu.memory_space<vmem>> -> memref<1x128xi32, #tpu.memory_space<vmem>>
    %dma_wait3A_145 = tpu.memref_squeeze %dma_wait3A_144 : memref<1x128xi32, #tpu.memory_space<vmem>> -> memref<128xi32, #tpu.memory_space<vmem>>
    %dma_wait3A_146 = arith.constant 0 : i32
    %dma_wait3A_147 = arith.constant 0 : i32
    %dma_wait3A_148 = tpu.memref_slice %arg2[%dma_wait3A_146, %dma_wait3A_147] : memref<262144x128xi32, #tpu.memory_space<hbm>> -> memref<262144x128xi32, #tpu.memory_space<hbm>>
    tpu.wait_indirect_dma semaphore(%arg11 : memref<!tpu.dma_semaphore, #tpu.memory_space<semaphore_mem>>) src(%dma_wait3A_148 : memref<262144x128xi32, #tpu.memory_space<hbm>>) dst(%dma_wait3A_142 : memref<128x128xi32, #tpu.memory_space<vmem>>)
    %dma_wait3A_149 = arith.constant 2 : i32
    %dma_wait3A_150 = tpu.memref_bitcast %arg10 : memref<512x128xf32, #tpu.memory_space<vmem>> -> memref<512x128xi32, #tpu.memory_space<vmem>>
    %dma_wait3A_151 = arith.constant 256 : i32
    %dma_wait3A_152 = arith.constant 0 : i32
    %dma_wait3A_153 = tpu.memref_slice %dma_wait3A_150[%dma_wait3A_151, %dma_wait3A_152] : memref<512x128xi32, #tpu.memory_space<vmem>> -> memref<128x128xi32, #tpu.memory_space<vmem>>
    %dma_wait3A_154 = arith.constant 0 : i32
    %dma_wait3A_155 = tpu.memref_slice %arg8[%dma_wait3A_149, %dma_wait3A_154] : memref<4x128xi32, #tpu.memory_space<vmem>> -> memref<1x128xi32, #tpu.memory_space<vmem>>
    %dma_wait3A_156 = tpu.memref_squeeze %dma_wait3A_155 : memref<1x128xi32, #tpu.memory_space<vmem>> -> memref<128xi32, #tpu.memory_space<vmem>>
    %dma_wait3A_157 = arith.constant 0 : i32
    %dma_wait3A_158 = arith.constant 0 : i32
    %dma_wait3A_159 = tpu.memref_slice %arg2[%dma_wait3A_157, %dma_wait3A_158] : memref<262144x128xi32, #tpu.memory_space<hbm>> -> memref<262144x128xi32, #tpu.memory_space<hbm>>
    tpu.wait_indirect_dma semaphore(%arg11 : memref<!tpu.dma_semaphore, #tpu.memory_space<semaphore_mem>>) src(%dma_wait3A_159 : memref<262144x128xi32, #tpu.memory_space<hbm>>) dst(%dma_wait3A_153 : memref<128x128xi32, #tpu.memory_space<vmem>>)
    %dma_wait3A_160 = arith.constant 3 : i32
    %dma_wait3A_161 = tpu.memref_bitcast %arg10 : memref<512x128xf32, #tpu.memory_space<vmem>> -> memref<512x128xi32, #tpu.memory_space<vmem>>
    %dma_wait3A_162 = arith.constant 384 : i32
    %dma_wait3A_163 = arith.constant 0 : i32
    %dma_wait3A_164 = tpu.memref_slice %dma_wait3A_161[%dma_wait3A_162, %dma_wait3A_163] : memref<512x128xi32, #tpu.memory_space<vmem>> -> memref<128x128xi32, #tpu.memory_space<vmem>>
    %dma_wait3A_165 = arith.constant 0 : i32
    %dma_wait3A_166 = tpu.memref_slice %arg8[%dma_wait3A_160, %dma_wait3A_165] : memref<4x128xi32, #tpu.memory_space<vmem>> -> memref<1x128xi32, #tpu.memory_space<vmem>>
    %dma_wait3A_167 = tpu.memref_squeeze %dma_wait3A_166 : memref<1x128xi32, #tpu.memory_space<vmem>> -> memref<128xi32, #tpu.memory_space<vmem>>
    %dma_wait3A_168 = arith.constant 0 : i32
    %dma_wait3A_169 = arith.constant 0 : i32
    %dma_wait3A_170 = tpu.memref_slice %arg2[%dma_wait3A_168, %dma_wait3A_169] : memref<262144x128xi32, #tpu.memory_space<hbm>> -> memref<262144x128xi32, #tpu.memory_space<hbm>>
    tpu.wait_indirect_dma semaphore(%arg11 : memref<!tpu.dma_semaphore, #tpu.memory_space<semaphore_mem>>) src(%dma_wait3A_170 : memref<262144x128xi32, #tpu.memory_space<hbm>>) dst(%dma_wait3A_164 : memref<128x128xi32, #tpu.memory_space<vmem>>)
    "tpu.region"() ({
      %run_scoped3A = tpu.sem_alloc : memref<!tpu.dma_semaphore, #tpu.memory_space<semaphore_mem>>
      %dma_start3A_171 = tpu.memref_bitcast %arg10 : memref<512x128xf32, #tpu.memory_space<vmem>> -> memref<512x128xi32, #tpu.memory_space<vmem>>
      %dma_start3A_172 = arith.constant 0 : i32
      %dma_start3A_173 = tpu.memref_slice %arg6[%mul3A_2, %dma_start3A_172] : memref<16384x128xi32, #tpu.memory_space<hbm>> -> memref<512x128xi32, #tpu.memory_space<hbm>>
      %dma_start3A_174 = arith.constant 0 : i32
      %dma_start3A_175 = tpu.memref_slice %arg6[%mul3A_2, %dma_start3A_174] : memref<16384x128xi32, #tpu.memory_space<hbm>> -> memref<512x128xi32, #tpu.memory_space<hbm>>
      %dma_start3A_176 = tpu.memref_bitcast %arg10 : memref<512x128xf32, #tpu.memory_space<vmem>> -> memref<512x128xi32, #tpu.memory_space<vmem>>
      tpu.enqueue_dma source(%dma_start3A_176 : memref<512x128xi32, #tpu.memory_space<vmem>>) target(%dma_start3A_175 : memref<512x128xi32, #tpu.memory_space<hbm>>) target_semaphore(%run_scoped3A : memref<!tpu.dma_semaphore, #tpu.memory_space<semaphore_mem>>)
      %dma_wait3A_177 = tpu.memref_bitcast %arg10 : memref<512x128xf32, #tpu.memory_space<vmem>> -> memref<512x128xi32, #tpu.memory_space<vmem>>
      %dma_wait3A_178 = arith.constant 0 : i32
      %dma_wait3A_179 = tpu.memref_slice %arg6[%mul3A_2, %dma_wait3A_178] : memref<16384x128xi32, #tpu.memory_space<hbm>> -> memref<512x128xi32, #tpu.memory_space<hbm>>
      %dma_wait3A_180 = arith.constant 0 : i32
      %dma_wait3A_181 = tpu.memref_slice %arg6[%mul3A_2, %dma_wait3A_180] : memref<16384x128xi32, #tpu.memory_space<hbm>> -> memref<512x128xi32, #tpu.memory_space<hbm>>
      %dma_wait3A_182 = tpu.memref_bitcast %arg10 : memref<512x128xf32, #tpu.memory_space<vmem>> -> memref<512x128xi32, #tpu.memory_space<vmem>>
      tpu.wait_dma2 semaphore(%run_scoped3A : memref<!tpu.dma_semaphore, #tpu.memory_space<semaphore_mem>>) src(%dma_wait3A_182 : memref<512x128xi32, #tpu.memory_space<vmem>>) dst(%dma_wait3A_181 : memref<512x128xi32, #tpu.memory_space<hbm>>)
      tpu.yield
    }) : () -> ()
    return
  }
}

module attributes {stable_mosaic.version = 14 : i64} {
  func.func @_precompute_body(%arg0: memref<1024x50xf32, #tpu.memory_space<vmem>>, %arg1: memref<1x50xf32, #tpu.memory_space<vmem>>, %arg2: memref<50x128xf32, #tpu.memory_space<vmem>>, %arg3: memref<1x128xf32, #tpu.memory_space<vmem>>, %arg4: memref<1024x128xf32, #tpu.memory_space<vmem>>) attributes {dimension_semantics = [], scalar_prefetch = 0 : i64, scratch_operands = 0 : i64, tpu.core_type = #tpu.core_type<tc>} {
    %get3A = arith.constant 0 : index
    %get3A_0 = arith.constant 0 : index
    %get3A_1 = vector.load %arg0[%get3A, %get3A_0] : memref<1024x50xf32, #tpu.memory_space<vmem>>, vector<1024x50xf32>
    %get3A_2 = arith.constant 0 : index
    %get3A_3 = arith.constant 0 : index
    %get3A_4 = vector.load %arg1[%get3A_2, %get3A_3] : memref<1x50xf32, #tpu.memory_space<vmem>>, vector<1x50xf32>
    %add3A = vector.broadcast %get3A_4 : vector<1x50xf32> to vector<1024x50xf32>
    %add3A_5 = arith.addf %get3A_1, %add3A : vector<1024x50xf32>
    %max3A = arith.constant 0.000000e+00 : f32
    %max3A_6 = vector.broadcast %max3A : f32 to vector<1024x50xf32>
    %max3A_7 = arith.maximumf %add3A_5, %max3A_6 : vector<1024x50xf32>
    %get3A_8 = arith.constant 0 : index
    %get3A_9 = arith.constant 0 : index
    %get3A_10 = vector.load %arg2[%get3A_8, %get3A_9] : memref<50x128xf32, #tpu.memory_space<vmem>>, vector<50x128xf32>
    %dot_general3A = arith.constant dense<0.000000e+00> : vector<1024x128xf32>
    %dot_general3A_11 = tpu.matmul %max3A_7, %get3A_10, %dot_general3A {dimension_numbers = #tpu.dot_dimension_numbers<[1], [0], [0], [1], [0, 0, 1, 1], [], []>, transpose_lhs_hint = false} : vector<1024x50xf32>, vector<50x128xf32>, vector<1024x128xf32> -> vector<1024x128xf32>
    %get3A_12 = arith.constant 0 : index
    %get3A_13 = arith.constant 0 : index
    %get3A_14 = vector.load %arg3[%get3A_12, %get3A_13] : memref<1x128xf32, #tpu.memory_space<vmem>>, vector<1x128xf32>
    %add3A_15 = vector.broadcast %get3A_14 : vector<1x128xf32> to vector<1024x128xf32>
    %add3A_16 = arith.addf %dot_general3A_11, %add3A_15 : vector<1024x128xf32>
    %swap3A = arith.constant 0 : index
    %swap3A_17 = arith.constant 0 : index
    %swap3A_18 = vector.load %arg4[%swap3A, %swap3A_17] : memref<1024x128xf32, #tpu.memory_space<vmem>>, vector<1024x128xf32>
    tpu.vector_store %arg4[%swap3A, %swap3A_17], %add3A_16 {strides = array<i32>} : memref<1024x128xf32, #tpu.memory_space<vmem>>, vector<1024x128xf32>,
    return
  }
}

module attributes {stable_mosaic.version = 14 : i64} {
  func.func @_gbuild_body(%arg0: i32, %arg1: memref<64x8192xf32, #tpu.memory_space<vmem>>, %arg2: memref<64x8192xf32, #tpu.memory_space<vmem>>, %arg3: memref<64x8192xf32, #tpu.memory_space<vmem>>, %arg4: memref<64x8192xf32, #tpu.memory_space<vmem>>, %arg5: memref<64x64xf32, #tpu.memory_space<vmem>>, %arg6: memref<8192x128xi32, #tpu.memory_space<vmem>>) attributes {dimension_semantics = [#tpu.dimension_semantics<arbitrary>], iteration_bounds = array<i64: 32>, scalar_prefetch = 0 : i64, scratch_operands = 0 : i64, tpu.core_type = #tpu.core_type<tc>, window_params = [{transform_indices = @transform_0, window_bounds = array<i64: 64, 8192>}, {transform_indices = @transform_1, window_bounds = array<i64: 64, 8192>}, {transform_indices = @transform_2, window_bounds = array<i64: 64, 8192>}, {transform_indices = @transform_3, window_bounds = array<i64: 64, 8192>}, {pipeline_mode = #tpu.pipeline_mode<synchronous>, transform_indices = @transform_4, window_bounds = array<i64: 64, 64>}, {transform_indices = @transform_5, window_bounds = array<i64: 8192, 128>}]} {
    %get3A = arith.constant 0 : index
    %get3A_0 = arith.constant 0 : index
    %get3A_1 = vector.load %arg1[%get3A, %get3A_0] : memref<64x8192xf32, #tpu.memory_space<vmem>>, vector<64x8192xf32>
    %get3A_2 = arith.constant 0 : index
    %get3A_3 = arith.constant 0 : index
    %get3A_4 = vector.load %arg5[%get3A_2, %get3A_3] : memref<64x64xf32, #tpu.memory_space<vmem>>, vector<64x64xf32>
    %dot_general3A = arith.constant dense<0.000000e+00> : vector<8192x64xf32>
    %dot_general3A_5 = tpu.matmul %get3A_1, %get3A_4, %dot_general3A {dimension_numbers = #tpu.dot_dimension_numbers<[0], [0], [1], [1], [0, 1, 1, 1], [], []>, transpose_lhs_hint = false} : vector<64x8192xf32>, vector<64x64xf32>, vector<8192x64xf32> -> vector<8192x64xf32>
    %bitcast_convert_type3A = tpu.bitcast %dot_general3A_5 : vector<8192x64xf32> -> vector<8192x64xi32>
    %get3A_6 = arith.constant 0 : index
    %get3A_7 = arith.constant 0 : index
    %get3A_8 = vector.load %arg2[%get3A_6, %get3A_7] : memref<64x8192xf32, #tpu.memory_space<vmem>>, vector<64x8192xf32>
    %get3A_9 = arith.constant 0 : index
    %get3A_10 = arith.constant 0 : index
    %get3A_11 = vector.load %arg5[%get3A_9, %get3A_10] : memref<64x64xf32, #tpu.memory_space<vmem>>, vector<64x64xf32>
    %dot_general3A_12 = arith.constant dense<0.000000e+00> : vector<8192x64xf32>
    %dot_general3A_13 = tpu.matmul %get3A_8, %get3A_11, %dot_general3A_12 {dimension_numbers = #tpu.dot_dimension_numbers<[0], [0], [1], [1], [0, 1, 1, 1], [], []>, transpose_lhs_hint = false} : vector<64x8192xf32>, vector<64x64xf32>, vector<8192x64xf32> -> vector<8192x64xf32>
    %bitcast_convert_type3A_14 = tpu.bitcast %dot_general3A_13 : vector<8192x64xf32> -> vector<8192x64xi32>
    %get3A_15 = arith.constant 0 : index
    %get3A_16 = arith.constant 0 : index
    %get3A_17 = vector.load %arg3[%get3A_15, %get3A_16] : memref<64x8192xf32, #tpu.memory_space<vmem>>, vector<64x8192xf32>
    %get3A_18 = arith.constant 0 : index
    %get3A_19 = arith.constant 0 : index
    %get3A_20 = vector.load %arg5[%get3A_18, %get3A_19] : memref<64x64xf32, #tpu.memory_space<vmem>>, vector<64x64xf32>
    %dot_general3A_21 = arith.constant dense<0.000000e+00> : vector<8192x64xf32>
    %dot_general3A_22 = tpu.matmul %get3A_17, %get3A_20, %dot_general3A_21 {dimension_numbers = #tpu.dot_dimension_numbers<[0], [0], [1], [1], [0, 1, 1, 1], [], []>, transpose_lhs_hint = false} : vector<64x8192xf32>, vector<64x64xf32>, vector<8192x64xf32> -> vector<8192x64xf32>
    %bitcast_convert_type3A_23 = tpu.bitcast %dot_general3A_22 : vector<8192x64xf32> -> vector<8192x64xi32>
    %get3A_24 = arith.constant 0 : index
    %get3A_25 = arith.constant 0 : index
    %get3A_26 = vector.load %arg4[%get3A_24, %get3A_25] : memref<64x8192xf32, #tpu.memory_space<vmem>>, vector<64x8192xf32>
    %get3A_27 = arith.constant 0 : index
    %get3A_28 = arith.constant 0 : index
    %get3A_29 = vector.load %arg5[%get3A_27, %get3A_28] : memref<64x64xf32, #tpu.memory_space<vmem>>, vector<64x64xf32>
    %dot_general3A_30 = arith.constant dense<0.000000e+00> : vector<8192x64xf32>
    %dot_general3A_31 = tpu.matmul %get3A_26, %get3A_29, %dot_general3A_30 {dimension_numbers = #tpu.dot_dimension_numbers<[0], [0], [1], [1], [0, 1, 1, 1], [], []>, transpose_lhs_hint = false} : vector<64x8192xf32>, vector<64x64xf32>, vector<8192x64xf32> -> vector<8192x64xf32>
    %bitcast_convert_type3A_32 = tpu.bitcast %dot_general3A_31 : vector<8192x64xf32> -> vector<8192x64xi32>
    %shift_right_logical3A = arith.constant 16 : i32
    %shift_right_logical3A_33 = vector.broadcast %shift_right_logical3A : i32 to vector<8192x64xi32>
    %shift_right_logical3A_34 = arith.shrui %bitcast_convert_type3A, %shift_right_logical3A_33 : vector<8192x64xi32>
    %shift_left3A = arith.constant 16 : i32
    %shift_left3A_35 = vector.broadcast %shift_left3A : i32 to vector<8192x64xi32>
    %shift_left3A_36 = arith.shli %shift_right_logical3A_34, %shift_left3A_35 : vector<8192x64xi32>
    %shift_right_logical3A_37 = arith.constant 16 : i32
    %shift_right_logical3A_38 = vector.broadcast %shift_right_logical3A_37 : i32 to vector<8192x64xi32>
    %shift_right_logical3A_39 = arith.shrui %bitcast_convert_type3A_14, %shift_right_logical3A_38 : vector<8192x64xi32>
    %or3A = arith.ori %shift_left3A_36, %shift_right_logical3A_39 : vector<8192x64xi32>
    %shift_right_logical3A_40 = arith.constant 16 : i32
    %shift_right_logical3A_41 = vector.broadcast %shift_right_logical3A_40 : i32 to vector<8192x64xi32>
    %shift_right_logical3A_42 = arith.shrui %bitcast_convert_type3A_23, %shift_right_logical3A_41 : vector<8192x64xi32>
    %shift_left3A_43 = arith.constant 16 : i32
    %shift_left3A_44 = vector.broadcast %shift_left3A_43 : i32 to vector<8192x64xi32>
    %shift_left3A_45 = arith.shli %shift_right_logical3A_42, %shift_left3A_44 : vector<8192x64xi32>
    %shift_right_logical3A_46 = arith.constant 16 : i32
    %shift_right_logical3A_47 = vector.broadcast %shift_right_logical3A_46 : i32 to vector<8192x64xi32>
    %shift_right_logical3A_48 = arith.shrui %bitcast_convert_type3A_32, %shift_right_logical3A_47 : vector<8192x64xi32>
    %or3A_49 = arith.ori %shift_left3A_45, %shift_right_logical3A_48 : vector<8192x64xi32>
    %concatenate3A = tpu.concatenate %or3A, %or3A_49 in 1 : vector<8192x64xi32>, vector<8192x64xi32> -> vector<8192x128xi32>
    %bitcast_convert_type3A_50 = tpu.bitcast %concatenate3A : vector<8192x128xi32> -> vector<8192x128xi32>
    %swap3A = arith.constant 0 : index
    %swap3A_51 = arith.constant 0 : index
    %swap3A_52 = vector.load %arg6[%swap3A, %swap3A_51] : memref<8192x128xi32, #tpu.memory_space<vmem>>, vector<8192x128xi32>
    tpu.vector_store %arg6[%swap3A, %swap3A_51], %bitcast_convert_type3A_50 {strides = array<i32>} : memref<8192x128xi32, #tpu.memory_space<vmem>>, vector<8192x128xi32>,
    return
  }
  func.func @transform_0(%arg0: i32) -> (i32, i32) {
    %c0_i32 = arith.constant 0 : i32
    %c0_i32_0 = arith.constant 0 : i32
    return %c0_i32, %arg0 : i32, i32
  }
  func.func @transform_1(%arg0: i32) -> (i32, i32) {
    %add3A = arith.constant 32 : i32
    %add3A_0 = arith.addi %arg0, %add3A : i32
    %c0_i32 = arith.constant 0 : i32
    %c0_i32_1 = arith.constant 0 : i32
    return %c0_i32, %add3A_0 : i32, i32
  }
  func.func @transform_2(%arg0: i32) -> (i32, i32) {
    %add3A = arith.constant 64 : i32
    %add3A_0 = arith.addi %arg0, %add3A : i32
    %c0_i32 = arith.constant 0 : i32
    %c0_i32_1 = arith.constant 0 : i32
    return %c0_i32, %add3A_0 : i32, i32
  }
  func.func @transform_3(%arg0: i32) -> (i32, i32) {
    %add3A = arith.constant 96 : i32
    %add3A_0 = arith.addi %arg0, %add3A : i32
    %min3A = arith.constant 122 : i32
    %min3A_1 = arith.minsi %add3A_0, %min3A : i32
    %c0_i32 = arith.constant 0 : i32
    %c0_i32_2 = arith.constant 0 : i32
    return %c0_i32, %min3A_1 : i32, i32
  }
  func.func @transform_4(%arg0: i32) -> (i32, i32) {
    %c0_i32 = arith.constant 0 : i32
    %c0_i32_0 = arith.constant 0 : i32
    %c0_i32_1 = arith.constant 0 : i32
    return %c0_i32, %c0_i32_0 : i32, i32
  }
  func.func @transform_5(%arg0: i32) -> (i32, i32) {
    %c0_i32 = arith.constant 0 : i32
    %c0_i32_0 = arith.constant 0 : i32
    return %arg0, %c0_i32 : i32, i32
  }
}

module attributes {stable_mosaic.version = 14 : i64} {
  func.func @_mlp_body(%arg0: i32, %arg1: memref<2048x128xf32, #tpu.memory_space<vmem>>, %arg2: memref<2048x128xi32, #tpu.memory_space<vmem>>, %arg3: memref<2048x1xi32, #tpu.memory_space<vmem>>, %arg4: memref<1x50xf32, #tpu.memory_space<vmem>>, %arg5: memref<50x50xf32, #tpu.memory_space<vmem>>, %arg6: memref<1x50xf32, #tpu.memory_space<vmem>>, %arg7: memref<2048x50xf32, #tpu.memory_space<vmem>>, %arg8: memref<2048x50xf32, #tpu.memory_space<vmem>>) attributes {dimension_semantics = [#tpu.dimension_semantics<arbitrary>], iteration_bounds = array<i64: 8>, scalar_prefetch = 0 : i64, scratch_operands = 0 : i64, tpu.core_type = #tpu.core_type<tc>, window_params = [{transform_indices = @transform_0, window_bounds = array<i64: 2048, 128>}, {transform_indices = @transform_1, window_bounds = array<i64: 2048, 128>}, {transform_indices = @transform_2, window_bounds = array<i64: 2048, 1>}, {pipeline_mode = #tpu.pipeline_mode<synchronous>, transform_indices = @transform_3, window_bounds = array<i64: 1, 50>}, {pipeline_mode = #tpu.pipeline_mode<synchronous>, transform_indices = @transform_4, window_bounds = array<i64: 50, 50>}, {pipeline_mode = #tpu.pipeline_mode<synchronous>, transform_indices = @transform_5, window_bounds = array<i64: 1, 50>}, {transform_indices = @transform_6, window_bounds = array<i64: 2048, 50>}, {transform_indices = @transform_7, window_bounds = array<i64: 2048, 50>}]} {
    %get3A = arith.constant 0 : index
    %get3A_0 = arith.constant 0 : index
    %get3A_1 = vector.load %arg1[%get3A, %get3A_0] : memref<2048x128xf32, #tpu.memory_space<vmem>>, vector<2048x50xf32>
    %swap3A = arith.constant 0 : index
    %swap3A_2 = arith.constant 0 : index
    %swap3A_3 = vector.load %arg7[%swap3A, %swap3A_2] : memref<2048x50xf32, #tpu.memory_space<vmem>>, vector<2048x50xf32>
    tpu.vector_store %arg7[%swap3A, %swap3A_2], %get3A_1 {strides = array<i32>} : memref<2048x50xf32, #tpu.memory_space<vmem>>, vector<2048x50xf32>,
    %get3A_4 = arith.constant 0 : index
    %get3A_5 = arith.constant 0 : index
    %get3A_6 = vector.load %arg2[%get3A_4, %get3A_5] : memref<2048x128xi32, #tpu.memory_space<vmem>>, vector<2048x128xi32>
    %bitcast_convert_type3A = tpu.bitcast %get3A_6 : vector<2048x128xi32> -> vector<2048x128xi32>
    %get3A_7 = arith.constant 0 : index
    %get3A_8 = arith.constant 0 : index
    %get3A_9 = vector.load %arg3[%get3A_7, %get3A_8] : memref<2048x1xi32, #tpu.memory_space<vmem>>, vector<2048x1xi32>
    %ge3A = arith.constant 2 : i32
    %ge3A_10 = vector.broadcast %ge3A : i32 to vector<2048x1xi32>
    %ge3A_11 = arith.cmpi sge, %get3A_9, %ge3A_10 : vector<2048x1xi32>
    %slice3A = vector.extract_strided_slice %bitcast_convert_type3A {offsets = [0, 64], sizes = [2048, 64], strides = [1, 1]} : vector<2048x128xi32> to vector<2048x64xi32>
    %slice3A_12 = vector.extract_strided_slice %bitcast_convert_type3A {offsets = [0, 0], sizes = [2048, 64], strides = [1, 1]} : vector<2048x128xi32> to vector<2048x64xi32>
    %broadcast_in_dim3A = vector.shape_cast %ge3A_11 : vector<2048x1xi1> to vector<2048x1xi1>
    %broadcast_in_dim3A_13 = vector.broadcast %broadcast_in_dim3A : vector<2048x1xi1> to vector<2048x64xi1>
    %select_n3A = arith.select %broadcast_in_dim3A_13, %slice3A, %slice3A_12 : vector<2048x64xi1>, vector<2048x64xi32>
    %and3A = arith.constant 1 : i32
    %and3A_14 = vector.broadcast %and3A : i32 to vector<2048x1xi32>
    %and3A_15 = arith.andi %get3A_9, %and3A_14 : vector<2048x1xi32>
    %eq3A = arith.constant 1 : i32
    %eq3A_16 = vector.broadcast %eq3A : i32 to vector<2048x1xi32>
    %eq3A_17 = arith.cmpi eq, %and3A_15, %eq3A_16 : vector<2048x1xi32>
    %shift_left3A = arith.constant 16 : i32
    %shift_left3A_18 = vector.broadcast %shift_left3A : i32 to vector<2048x64xi32>
    %shift_left3A_19 = arith.shli %select_n3A, %shift_left3A_18 : vector<2048x64xi32>
    %shift_right_logical3A = arith.constant 16 : i32
    %shift_right_logical3A_20 = vector.broadcast %shift_right_logical3A : i32 to vector<2048x64xi32>
    %shift_right_logical3A_21 = arith.shrui %select_n3A, %shift_right_logical3A_20 : vector<2048x64xi32>
    %shift_left3A_22 = arith.constant 16 : i32
    %shift_left3A_23 = vector.broadcast %shift_left3A_22 : i32 to vector<2048x64xi32>
    %shift_left3A_24 = arith.shli %shift_right_logical3A_21, %shift_left3A_23 : vector<2048x64xi32>
    %broadcast_in_dim3A_25 = vector.shape_cast %eq3A_17 : vector<2048x1xi1> to vector<2048x1xi1>
    %broadcast_in_dim3A_26 = vector.broadcast %broadcast_in_dim3A_25 : vector<2048x1xi1> to vector<2048x64xi1>
    %select_n3A_27 = arith.select %broadcast_in_dim3A_26, %shift_left3A_19, %shift_left3A_24 : vector<2048x64xi1>, vector<2048x64xi32>
    %bitcast_convert_type3A_28 = tpu.bitcast %select_n3A_27 : vector<2048x64xi32> -> vector<2048x64xf32>
    %slice3A_29 = vector.extract_strided_slice %bitcast_convert_type3A_28 {offsets = [0, 0], sizes = [2048, 50], strides = [1, 1]} : vector<2048x64xf32> to vector<2048x50xf32>
    %get3A_30 = arith.constant 0 : index
    %get3A_31 = arith.constant 0 : index
    %get3A_32 = vector.load %arg4[%get3A_30, %get3A_31] : memref<1x50xf32, #tpu.memory_space<vmem>>, vector<1x50xf32>
    %add3A = vector.broadcast %get3A_32 : vector<1x50xf32> to vector<2048x50xf32>
    %add3A_33 = arith.addf %slice3A_29, %add3A : vector<2048x50xf32>
    %max3A = arith.constant 0.000000e+00 : f32
    %max3A_34 = vector.broadcast %max3A : f32 to vector<2048x50xf32>
    %max3A_35 = arith.maximumf %add3A_33, %max3A_34 : vector<2048x50xf32>
    %get3A_36 = arith.constant 0 : index
    %get3A_37 = arith.constant 0 : index
    %get3A_38 = vector.load %arg5[%get3A_36, %get3A_37] : memref<50x50xf32, #tpu.memory_space<vmem>>, vector<50x50xf32>
    %dot_general3A = arith.constant dense<0.000000e+00> : vector<2048x50xf32>
    %dot_general3A_39 = tpu.matmul %max3A_35, %get3A_38, %dot_general3A {dimension_numbers = #tpu.dot_dimension_numbers<[1], [0], [0], [1], [0, 0, 1, 1], [], []>, transpose_lhs_hint = false} : vector<2048x50xf32>, vector<50x50xf32>, vector<2048x50xf32> -> vector<2048x50xf32>
    %get3A_40 = arith.constant 0 : index
    %get3A_41 = arith.constant 0 : index
    %get3A_42 = vector.load %arg6[%get3A_40, %get3A_41] : memref<1x50xf32, #tpu.memory_space<vmem>>, vector<1x50xf32>
    %add3A_43 = vector.broadcast %get3A_42 : vector<1x50xf32> to vector<2048x50xf32>
    %add3A_44 = arith.addf %dot_general3A_39, %add3A_43 : vector<2048x50xf32>
    %swap3A_45 = arith.constant 0 : index
    %swap3A_46 = arith.constant 0 : index
    %swap3A_47 = vector.load %arg8[%swap3A_45, %swap3A_46] : memref<2048x50xf32, #tpu.memory_space<vmem>>, vector<2048x50xf32>
    tpu.vector_store %arg8[%swap3A_45, %swap3A_46], %add3A_44 {strides = array<i32>} : memref<2048x50xf32, #tpu.memory_space<vmem>>, vector<2048x50xf32>,
    return
  }
  func.func @transform_0(%arg0: i32) -> (i32, i32) {
    %c0_i32 = arith.constant 0 : i32
    %c0_i32_0 = arith.constant 0 : i32
    return %arg0, %c0_i32 : i32, i32
  }
  func.func @transform_1(%arg0: i32) -> (i32, i32) {
    %c0_i32 = arith.constant 0 : i32
    %c0_i32_0 = arith.constant 0 : i32
    return %arg0, %c0_i32 : i32, i32
  }
  func.func @transform_2(%arg0: i32) -> (i32, i32) {
    %c0_i32 = arith.constant 0 : i32
    %c0_i32_0 = arith.constant 0 : i32
    return %arg0, %c0_i32 : i32, i32
  }
  func.func @transform_3(%arg0: i32) -> (i32, i32) {
    %c0_i32 = arith.constant 0 : i32
    %c0_i32_0 = arith.constant 0 : i32
    %c0_i32_1 = arith.constant 0 : i32
    return %c0_i32, %c0_i32_0 : i32, i32
  }
  func.func @transform_4(%arg0: i32) -> (i32, i32) {
    %c0_i32 = arith.constant 0 : i32
    %c0_i32_0 = arith.constant 0 : i32
    %c0_i32_1 = arith.constant 0 : i32
    return %c0_i32, %c0_i32_0 : i32, i32
  }
  func.func @transform_5(%arg0: i32) -> (i32, i32) {
    %c0_i32 = arith.constant 0 : i32
    %c0_i32_0 = arith.constant 0 : i32
    %c0_i32_1 = arith.constant 0 : i32
    return %c0_i32, %c0_i32_0 : i32, i32
  }
  func.func @transform_6(%arg0: i32) -> (i32, i32) {
    %c0_i32 = arith.constant 0 : i32
    %c0_i32_0 = arith.constant 0 : i32
    return %arg0, %c0_i32 : i32, i32
  }
  func.func @transform_7(%arg0: i32) -> (i32, i32) {
    %c0_i32 = arith.constant 0 : i32
    %c0_i32_0 = arith.constant 0 : i32
    return %arg0, %c0_i32 : i32, i32
  }
}

</mosaic_0001>

<sc_bundles>
// kernel: kernel.6.cloned.1.call-start
scs
__scs_entry_jumppad:
0x0: {  	(pc) =	sbr.rel $0x88, $3  }
0x1: {  	(tag) =	ssettag $0x0;
	lr =	simm.s32 $0x1  }
0x2: {  	[smem:$0x3F96] =	sst lr;
	_ =	strace $0xD0000000  }
0x3: {  	_ = 	snop  }
0x4: {  	_ = 	snop  }
0x5: {  	_ = 	snop  }
0x6: {  	_ = 	snop  }
0x7: {  	_ = 	snop  }
__scs_overlays_trampoline_lowered:
0x8: {  	[smem:$0x3FA5] =	sst s0  }
0x9: {  	[smem:$0x3FA6] =	sst s1  }
0xa: {  	[smem:$0x3FA7] =	sst s2  }
0xb: {  	[smem:$0x3FA8] =	sst s3  }
0xc: {  	[smem:$0x3FA9] =	sst s4  }
0xd: {  	[smem:$0x3FAA] =	sst s5  }
0xe: {  	[smem:$0x3FAB] =	sst s6  }
0xf: {  	[smem:$0x3FAC] =	sst s7  }
0x10: {  	[smem:$0x3FAD] =	sst s8  }
0x11: {  	[smem:$0x3FAE] =	sst s9;
	s0 =	simm.s32 @!p0 $0x0  }
0x12: {  	s1 =	sld [smem:$0x3F94];
	s0 =	simm.s32 @p0 $0x1  }
0x13: {  	[smem:$0x3FAF] =	sst s0;
	s0 =	simm.s32 @!p1 $0x0  }
0x14: {  	s2 =	sld [smem:$0x3F93];
	s0 =	simm.s32 @p1 $0x1  }
0x15: {  	[smem:$0x3FB0] =	sst s0;
	s0 =	simm.s32 @!p2 $0x0  }
0x16: {  	s3 =	sld [smem:$0x3FDB];
	s0 =	simm.s32 @p2 $0x1  }
0x17: {  	s4 =	simm.s32 $0x1BF5;
	[smem:$0x3FB2] =	sst s0  }
0x18: {  	s0 =	sld [smem:$0x3F95];
	_ =	swait.ge [sflag:s4], $0x0  }
0x19: {  	s7 =	sld [smem:$0x3F96]  }
0x1a: {  	s8 =	sadd.s32 $0xFFFFE003, lr  }
0x1b: {  	s9 =	sadd.s32 $0xFFFFFEF7, lr;
	s5 =	simm.s32 $0xFFFFFFFF;
	p2 =	slt.u32 s8, $0xFFFFF086  }
0x1c: {  	p1 =	slt.u32 s9, $0xF7A;
	s5 =	simm.s32 @!p2 $0x0  }
0x1d: {  	s5 =	simm.s32 @p1 $0x1;
	p0 =	seq.s32 s7, s2  }
0x1e: {  	s7 =	smul.u32 @!p0 $0xF7A, s2;
	p2 =	seq.s32 @!p0 s5, $0x0  }
0x1f: {  	s9 =	smul.u32 $0xF7A, s1;
	s8 =	simm.s32 @!p0 $0x1BF5;
	p2 =	por !p2, p0  }
0x20: {  	[sflag:s8] =	ssyncset.s32 @!p0 $0xFFFFF086;
	s6 =	sadd.s32 @!p0 s3, s7;
	s7 =	simm.s32 @!p0 $0x108  }
0x21: {  	s3 =	sadd.s32 s3, s9;
	s6 =	sadd.s32 @!p0 $0x88, s6;
	s7 =	simm.s32 @p2 $0x1082  }
0x22: {  	[simem:s7], [sflag:s8] =	dma.local @!p0 [hbm:s6], $0xF7A  }
0x23: {  	s9 =	sor.u32 $0xD0000000, s2;
	s6 =	simm.s32 $0x108;
	_ =	swait.ge @!p0 [sflag:s8], $0x0  }
0x24: {  	s3 =	sadd.s32 $0x88, s3;
	s6 =	simm.s32 @!p1 $0x1082;
	[sflag:s4] =	ssyncset.s32 $0xFFFFF086  }
0x25: {  	[simem:s6], [sflag:s4] =	dma.local [hbm:s3], $0xF7A  }
0x26: {  	[smem:$0x3F96] =	sst s1;
	(tag) =	ssettag s2;
	_ =	strace s9  }
0x27: {  	s1 =	sld [smem:$0x3FA6]  }
0x28: {  	s2 =	sld [smem:$0x3FA7]  }
0x29: {  	s4 =	sld [smem:$0x3FA9]  }
0x2a: {  	p0 =	seq.s32 s5, $0x0;
	s5 =	sld [smem:$0x3FAA]  }
0x2b: {  	s6 =	sld [smem:$0x3FAB]  }
0x2c: {  	s7 =	sld [smem:$0x3FAC]  }
0x2d: {  	s3 =	simm.s32 $0x108;
	s8 =	sld [smem:$0x3FAD]  }
0x2e: {  	s3 =	simm.s32 @!p0 $0x1082;
	s9 =	sld [smem:$0x3FAE]  }
0x2f: {  	lr =	sadd.s32 s0, s3;
	s0 =	sld [smem:$0x3FA5]  }
0x30: {  	s3 =	sld [smem:$0x3FA8]  }
0x31: {  	[smem:$0x3FB1] =	sst s10  }
0x32: {  	s10 =	sld [smem:$0x3FAF];
	_ =	sdelay $0x3  }
0x33: {  	p0 =	seq.s32 s10, $0x1;
	s10 =	sld [smem:$0x3FB1];
	_ =	sdelay $0x3  }
0x34: {  	[smem:$0x3FB1] =	sst s10  }
0x35: {  	s10 =	sld [smem:$0x3FB0];
	_ =	sdelay $0x3  }
0x36: {  	p1 =	seq.s32 s10, $0x1;
	s10 =	sld [smem:$0x3FB1];
	_ =	sdelay $0x3  }
0x37: {  	[smem:$0x3FB1] =	sst s10  }
0x38: {  	s10 =	sld [smem:$0x3FB2]  }
0x39: {  	_ = 	snop;
	(pc) =	sbr.ind lr, $3  }
0x3a: {  	_ = 	snop  }
0x3b: {  	_ = 	snop  }
0x3c: {  	p2 =	seq.s32 s10, $0x1;
	s10 =	sld [smem:$0x3FB1]  }
0x3d: {  	_ =	shalt  }
0x3e: {  	_ =	shalt  }
0x3f: {  	_ =	shalt  }
0x40: {  	_ =	shalt  }
0x41: {  	_ =	shalt  }
0x42: {  	_ =	shalt  }
0x43: {  	_ =	shalt  }
0x44: {  	_ =	shalt  }
0x45: {  	_ =	shalt  }
0x46: {  	_ =	shalt  }
0x47: {  	_ =	shalt  }
0x48: {  	_ =	shalt  }
0x49: {  	_ =	shalt  }
0x4a: {  	_ =	shalt  }
0x4b: {  	_ =	shalt  }
0x4c: {  	_ =	shalt  }
0x4d: {  	_ =	shalt  }
0x4e: {  	_ =	shalt  }
0x4f: {  	_ =	shalt  }
0x50: {  	_ =	shalt  }
0x51: {  	_ =	shalt  }
0x52: {  	_ =	shalt  }
0x53: {  	_ =	shalt  }
0x54: {  	_ =	shalt  }
0x55: {  	_ =	shalt  }
0x56: {  	_ =	shalt  }
0x57: {  	_ =	shalt  }
0x58: {  	_ =	shalt  }
0x59: {  	_ =	shalt  }
0x5a: {  	_ =	shalt  }
0x5b: {  	_ =	shalt  }
0x5c: {  	_ =	shalt  }
0x5d: {  	_ =	shalt  }
0x5e: {  	_ =	shalt  }
0x5f: {  	_ =	shalt  }
0x60: {  	_ =	shalt  }
0x61: {  	_ =	shalt  }
0x62: {  	_ =	shalt  }
0x63: {  	_ =	shalt  }
0x64: {  	_ =	shalt  }
0x65: {  	_ =	shalt  }
0x66: {  	_ =	shalt  }
0x67: {  	_ =	shalt  }
0x68: {  	_ =	shalt  }
0x69: {  	_ =	shalt  }
0x6a: {  	_ =	shalt  }
0x6b: {  	_ =	shalt  }
0x6c: {  	_ =	shalt  }
0x6d: {  	_ =	shalt  }
0x6e: {  	_ =	shalt  }
0x6f: {  	_ =	shalt  }
0x70: {  	_ =	shalt  }
0x71: {  	_ =	shalt  }
0x72: {  	_ =	shalt  }
0x73: {  	_ =	shalt  }
0x74: {  	_ =	shalt  }
0x75: {  	_ =	shalt  }
0x76: {  	_ =	shalt  }
0x77: {  	_ =	shalt  }
0x78: {  	_ =	shalt  }
0x79: {  	_ =	shalt  }
0x7a: {  	_ =	shalt  }
0x7b: {  	_ =	shalt  }
0x7c: {  	_ =	shalt  }
0x7d: {  	_ =	shalt  }
0x7e: {  	_ =	shalt  }
0x7f: {  	_ =	shalt  }
0x80: {  	_ =	shalt  }
0x81: {  	_ =	shalt  }
0x82: {  	_ =	shalt  }
0x83: {  	_ =	shalt  }
0x84: {  	_ =	shalt  }
0x85: {  	_ =	shalt  }
0x86: {  	_ =	shalt  }
0x87: {  	_ =	shalt  }
.Lfunc_end0:
.L_simem_size_0:
called_computation_lowered:
.L_overlay_start_0:
0x88: {  	s2 =	sld [smem:$0x3FD9]  }
0x89: {  	s3 =	sld [smem:$0x3FFE];
	_ =	sdelay $0x1  }
0x8a: {  	s1 =	srdreg.scid  }
0x8b: {  	s0 =	sand.u32 $0x1, s1  }
0x8c: {  	s14 =	sshll.u32 s0, $0xA;
	s2 =	sadd.s32 s3, s2  }
0x8d: {  	s2 =	sadd.s32 s2, s14  }
0x8e: {  	[smem:$0x3FBD] =	sst s2  }
0x8f: {  	_ = 	snop  }
0x90: {  	s2 =	sld [smem:$0x3FD0];
	_ =	sdelay $0x2  }
0x91: {  	s4 =	simm.s32 $0xA;
	s5 =	simm.s32 $0x10;
	s15 =	sld [smem:$0x3FC9]  }
0x92: {  	[smem:s5], [sflag:s4] =	dma.local [hbm:s2], $0x1  }
0x93: {  	_ =	swait.eq [sflag:s4], $0x1  }
0x94: {  	[sflag:s4] =	ssyncset.done $0x0  }
0x95: {  	[sflag:s4] =	ssyncadd.s32 $0xFFFFFFFF  }
0x96: {  	s16 =	sld [smem:$0x11];
	(tm) =	ssettm $0x1  }
0x97: {  	s17 =	sld [smem:$0x3FFB];
	_ =	sdelay $0x3  }
0x98: {  	_ =	strace s17  }
0x99: {  	s4 =	sld [smem:$0x3FFC];
	_ =	sdelay $0x3  }
0x9a: {  	_ =	strace s4  }
0x9b: {  	s4 =	sld [smem:$0x3FFD];
	_ =	sdelay $0x3  }
0x9c: {  	_ =	strace s4  }
0x9d: {  	_ =	strace $0x8FFFFFFF  }
0x9e: {  	s18 =	sld [smem:$0x3FDB];
	_ =	sdelay $0x1  }
0x9f: {  	s19 =	simm.s32 $_scs_section_size  }
0xa0: {  	s6 =	simm.s32 $_size__tile_overlayer_lowered;
	s7 =	simm.s32 $_tile_overlayer_lowered  }
0xa1: {  	s22 =	simm.s32 $0x1BFF;
	s21 =	sshll.u32 s7, $0x1;
	s4 =	sadd.s32 s19, s18  }
0xa2: {  	s8 =	simm.s32 $0x0;
	s20 =	sshll.u32 s6, $0x1;
	s6 =	sadd.s32 s21, s4  }
0xa3: {  	[timem:s8], [sflag:s22] =	dma.local [hbm:s6], s20  }
0xa4: {  	_ =	swait.ge [sflag:s22], s20  }
0xa5: {  	s5 =	ssub.s32 $0x0, s20;
	[sflag:s22] =	ssyncset.done $0x0  }
0xa6: {  	[sflag:s22] =	ssyncadd.s32 s5;
	_ =	sdelay $0x1  }
0xa7: {  	s23 =	simm.s32 $0x1B8B  }
0xa8: {  	_ =	swait.ge [sflag:s23], $0x1  }
0xa9: {  	[sflag:s23] =	ssyncset.done $0x0  }
0xaa: {  	s25 =	simm.s32 $0x1B8E;
	s24 =	sld [smem:$0x3FFE];
	[sflag:s23] =	ssyncadd.s32 $0xFFFFFFFF  }
0xab: {  	s26 =	simm.s32 $execute0_lowered;
	[smem:$0x3FD2] =	sst s25  }
0xac: {  	s6 =	sshll.u32 s26, $0x1;
	_ =	strace $0x80000046;
	[dreg:$0x1] =	wrdreg $0xFFFFFFFF  }
0xad: {  	s28 =	simm.s32 $_size_execute0_lowered;
	s4 =	sadd.s32 s4, s6;
	[dreg:$0x0] =	wrdreg $0x0  }
0xae: {  	s6 =	sshll.u32 s28, $0x1;
	[dreg:$0x2] =	wrdreg s4  }
0xaf: {  	[dreg:$0x3] =	wrdreg s6  }
0xb0: {  	[dreg:$0x4] =	wrdreg $0xC0  }
0xb1: {  	_ =	task [dreg:s8], $0x5FFFF  }
0xb2: {  	[dreg:$0x1] =	wrdreg $0xFFFFFFFF  }
0xb3: {  	[dreg:$0x0] =	wrdreg $0x60  }
0xb4: {  	[dreg:$0x2] =	wrdreg s24  }
0xb5: {  	[dreg:$0x3] =	wrdreg s16  }
0xb6: {  	[dreg:$0x4] =	wrdreg s15  }
0xb7: {  	[dreg:$0x5] =	wrdreg $0x9  }
0xb8: {  	_ =	task.clear_ibuf [dreg:s8], $0x6FFFF;
	_ =	strace $0x90000046  }
0xb9: {  	s29 =	simm.s32 $0x9;
	_ =	strace $0x80000048  }
0xba: {  	_ =	swait.ge [sflag:s29], $0x1  }
0xbb: {  	[sflag:s29] =	ssyncadd.s32 $0xFFFFFFFF  }
0xbc: {  	_ =	strace $0x90000048  }
0xbd: {  	_ =	sfence  }
0xbe: {  	s30 =	sld [smem:$0x0];
	_ =	sdelay $0x2  }
0xbf: {  	s31 =	sshll.u32 s1, $0xD;
	s1 =	sshrl.u32 s1, $0x2  }
0xc0: {  	s3 =	sand.u32 $0x4000, s31;
	s1 =	sadd.s32 s1, s30  }
0xc1: {  	s0 =	sor.u32 s3, s0;
	s1 =	sshll.u32 s1, $0x11  }
0xc2: {  	s0 =	sor.u32 s1, s0  }
0xc3: {  	s0 =	sadd.s32 $0x8F2B, s0  }
0xc4: {  	[sflag:s0] =	ssyncadd.remote.s32 $0x1  }
0xc5: {  	_ =	sfence.sel $0xFFFF  }
0xc6: {  	[dreg:$0x0] =	wrdreg $0xFFFFFFFF;
	(pc) =	sbr.abs _section_cstart, $3  }
0xc7: {  	[dreg:$0x1] =	wrdreg $0xFFFFFFFF  }
0xc8: {  	_ =	task.clear_ibuf [dreg:s8], $0x2FFFF;
	_ =	strace $0x9FFFFFFF  }
0xc9: {  	(tm) =	ssettm $0x7FFFFFFF  }
tec
execute0_lowered:
.L_overlay_start_1:
0x0: {  	(tag) =	ssettag $0x1  }
0x1: {  	s18 =	rddreg [dreg:$0x0];
	s1 =	srdreg.scid  }
0x2: {  	s2 =	rddreg [dreg:$0x1];
	s0 =	stileid.u32;
	s21 =	sand.u32 $0x1, s1  }
0x3: {  	s6 =	rddreg [dreg:$0x2];
	s4 =	sshll.u32 s0, $0x7;
	s5 =	sshll.u32 s21, $0x6  }
0x4: {  	s3 =	simm.s32 $0x0;
	s1 =	rddreg [dreg:$0x3];
	s7 =	sor.u32 s5, s4  }
0x5: {  	[smem:$0x7FF] =	sst s3;
	s4 =	sadd.s32 s7, s18  }
0x6: {  	_ =	strace $0x80000047;
	s5 =	sadd.s32 $0x1E00, s4;
	s4 =	simm.s32 $0x2  }
0x7: {  	[tilespmem:s3], [sflag:$0x2] =	stream.linear.gather [hbm4b:s5+s3], $0x200, $0x38;
	[tilespmem:$0x10400] =	vst v63  }
0x8: {  	_ =	swait.ge [sflag:s4], $0x200  }
0x9: {  	[sflag:s4] =	ssyncset.done $0x0  }
0xa: {  	s6 =	sadd.s32 s6, s7;
	s7 =	simm.s32 $0x200;
	[sflag:s4] =	ssyncadd.s32 $0xFFFFFE00  }
0xb: {  	[tilespmem:s7], [sflag:$0x2] =	stream.linear.gather [hbm4b:s6+s3], $0x200, $0x38;
	[tilespmem:$0x10400] =	vst v63  }
0xc: {  	_ =	swait.ge [sflag:s4], $0x200  }
0xd: {  	[sflag:s4] =	ssyncset.done $0x0  }
0xe: {  	s8 =	simm.s32 $0x80;
	s9 =	simm.s32 $0x400;
	[sflag:s4] =	ssyncadd.s32 $0xFFFFFE00  }
0xf: {  	[tilespmem:s9], [sflag:$0x1] =	stream.indirect.gather [hbm4b:s2+s8], $0x80, s7, s8, $0xb8;
	[tilespmem:$0x10400] =	vst v63  }
0x10: {  	s10 =	simm.s32 $0x280;
	s11 =	simm.s32 $0x4400  }
0x11: {  	[tilespmem:s11], [sflag:$0x1] =	stream.indirect.gather [hbm4b:s2+s8], $0x80, s10, s8, $0xb8;
	[tilespmem:$0x10400] =	vst v63  }
0x12: {  	s12 =	simm.s32 $0x300;
	s13 =	simm.s32 $0x8400  }
0x13: {  	[tilespmem:s13], [sflag:$0x1] =	stream.indirect.gather [hbm4b:s2+s8], $0x80, s12, s8, $0xb8;
	[tilespmem:$0x10400] =	vst v63  }
0x14: {  	s14 =	simm.s32 $0x380;
	s15 =	simm.s32 $0xC400;
	s16 =	simm.s32 $0x1  }
0x15: {  	[tilespmem:s15], [sflag:$0x1] =	stream.indirect.gather [hbm4b:s2+s8], $0x80, s14, s8, $0xb8;
	[tilespmem:$0x10400] =	vst v63  }
0x16: {  	_ =	swait.ge [sflag:s16], $0x4000  }
0x17: {  	[sflag:s16] =	ssyncset.done $0x0  }
0x18: {  	[sflag:s16] =	ssyncadd.s32 $0xFFFFC000  }
0x19: {  	_ =	swait.ge [sflag:s16], $0x4000  }
0x1a: {  	[sflag:s16] =	ssyncset.done $0x0  }
0x1b: {  	[sflag:s16] =	ssyncadd.s32 $0xFFFFC000  }
0x1c: {  	_ =	swait.ge [sflag:s16], $0x4000  }
0x1d: {  	[sflag:s16] =	ssyncset.done $0x0  }
0x1e: {  	s17 =	sshll.u32 s0, $0xE;
	s19 =	sshll.u32 s21, $0xD;
	[sflag:s16] =	ssyncadd.s32 $0xFFFFC000  }
0x1f: {  	s17 =	sor.u32 s19, s17;
	_ =	swait.ge [sflag:s16], $0x4000  }
0x20: {  	s22 =	sadd.s32 s17, s18;
	[sflag:s16] =	ssyncset.done $0x0  }
0x21: {  	s17 =	sadd.s32 $0x442C00, s22;
	[sflag:s16] =	ssyncadd.s32 $0xFFFFC000  }
0x22: {  	[hbm4b:s17+s3] =	stream.linear.scatter [tilespmem:s9], [sflag:$0x2], $0x10000, $0x38;
	[tilespmem:$0x10400] =	vst v63  }
0x23: {  	_ =	swait.ge [sflag:s4], $0x10000  }
0x24: {  	[sflag:s4] =	ssyncset.done $0x0  }
0x25: {  	s18 =	sadd.s32 $0x2C00, s18;
	[sflag:s4] =	ssyncadd.s32 $0xFFFF0000  }
0x26: {  	[tilespmem:s9], [sflag:$0x1] =	stream.indirect.gather [hbm4b:s18+s8], $0x80, s3, s8, $0xb8;
	[tilespmem:$0x10400] =	vst v63  }
0x27: {  	_ = 	snop  }
0x28: {  	[tilespmem:s11], [sflag:$0x1] =	stream.indirect.gather [hbm4b:s18+s8], $0x80, s8, s8, $0xb8;
	[tilespmem:$0x10400] =	vst v63  }
0x29: {  	s19 =	simm.s32 $0x100  }
0x2a: {  	[tilespmem:s13], [sflag:$0x1] =	stream.indirect.gather [hbm4b:s18+s8], $0x80, s19, s8, $0xb8;
	[tilespmem:$0x10400] =	vst v63  }
0x2b: {  	s20 =	simm.s32 $0x180  }
0x2c: {  	[tilespmem:s15], [sflag:$0x1] =	stream.indirect.gather [hbm4b:s18+s8], $0x80, s20, s8, $0xb8;
	[tilespmem:$0x10400] =	vst v63  }
0x2d: {  	_ =	swait.ge [sflag:s16], $0x4000  }
0x2e: {  	[sflag:s16] =	ssyncset.done $0x0  }
0x2f: {  	[sflag:s16] =	ssyncadd.s32 $0xFFFFC000  }
0x30: {  	_ =	swait.ge [sflag:s16], $0x4000  }
0x31: {  	[sflag:s16] =	ssyncset.done $0x0  }
0x32: {  	s21 =	ssub.s32 $0x2, s21;
	[sflag:s16] =	ssyncadd.s32 $0xFFFFC000  }
0x33: {  	s23 =	sshrl.u32 s21, $0x1;
	_ =	swait.ge [sflag:s16], $0x4000  }
0x34: {  	s23 =	ssub.s32 s21, s23;
	[sflag:s16] =	ssyncset.done $0x0  }
0x35: {  	s31 =	smax.u32 s23, $0x1;
	[sflag:s16] =	ssyncadd.s32 $0xFFFFC000  }
0x36: {  	p0 =	sne.s32 s31, $0x1;
	_ =	swait.ge [sflag:s16], $0x4000  }
.Ltmp0:
0x37: {  	[sflag:s16] =	ssyncset.done $0x0;
	(pc) =	sbr.rel @!p0 .LBB2_2-.Ltmp0, $4  }
0x38: {  	s21 =	sadd.s32 $0x402C00, s22;
	[sflag:s16] =	ssyncadd.s32 $0xFFFFC000  }
0x39: {  	[hbm4b:s21+s3] =	stream.linear.scatter [tilespmem:s9], [sflag:$0x2], $0x10000, $0x38;
	[tilespmem:$0x10400] =	vst v63  }
0x3a: {  	_ =	swait.ge [sflag:s4], $0x10000  }
0x3b: {  	s22 =	sadd.s32 $0xFFFFFFFF, s31;
	[sflag:s4] =	ssyncset.done $0x0  }
.LBB2_1:
0x3c: {  	p0 =	sne.s32 s22, $0x1;
	s22 =	sadd.s32 $0xFFFFFFFF, s22;
	[sflag:s4] =	ssyncadd.s32 $0xFFFF0000  }
0x3d: {  	[tilespmem:s3], [sflag:$0x2] =	stream.linear.gather [hbm4b:s5+s3], $0x200, $0x38;
	[tilespmem:$0x10400] =	vst v63  }
0x3e: {  	_ =	swait.ge [sflag:s4], $0x200  }
0x3f: {  	[sflag:s4] =	ssyncset.done $0x0  }
0x40: {  	[sflag:s4] =	ssyncadd.s32 $0xFFFFFE00  }
0x41: {  	[tilespmem:s7], [sflag:$0x2] =	stream.linear.gather [hbm4b:s6+s3], $0x200, $0x38;
	[tilespmem:$0x10400] =	vst v63  }
0x42: {  	_ =	swait.ge [sflag:s4], $0x200  }
0x43: {  	[sflag:s4] =	ssyncset.done $0x0  }
0x44: {  	[sflag:s4] =	ssyncadd.s32 $0xFFFFFE00  }
0x45: {  	[tilespmem:s9], [sflag:$0x1] =	stream.indirect.gather [hbm4b:s2+s8], $0x80, s7, s8, $0xb8;
	[tilespmem:$0x10400] =	vst v63  }
0x46: {  	_ = 	snop  }
0x47: {  	[tilespmem:s11], [sflag:$0x1] =	stream.indirect.gather [hbm4b:s2+s8], $0x80, s10, s8, $0xb8;
	[tilespmem:$0x10400] =	vst v63  }
0x48: {  	_ = 	snop  }
0x49: {  	[tilespmem:s13], [sflag:$0x1] =	stream.indirect.gather [hbm4b:s2+s8], $0x80, s12, s8, $0xb8;
	[tilespmem:$0x10400] =	vst v63  }
0x4a: {  	_ = 	snop  }
0x4b: {  	[tilespmem:s15], [sflag:$0x1] =	stream.indirect.gather [hbm4b:s2+s8], $0x80, s14, s8, $0xb8;
	[tilespmem:$0x10400] =	vst v63  }
0x4c: {  	_ =	swait.ge [sflag:s16], $0x4000  }
0x4d: {  	[sflag:s16] =	ssyncset.done $0x0  }
0x4e: {  	[sflag:s16] =	ssyncadd.s32 $0xFFFFC000  }
0x4f: {  	_ =	swait.ge [sflag:s16], $0x4000  }
0x50: {  	[sflag:s16] =	ssyncset.done $0x0  }
0x51: {  	[sflag:s16] =	ssyncadd.s32 $0xFFFFC000  }
0x52: {  	_ =	swait.ge [sflag:s16], $0x4000  }
0x53: {  	[sflag:s16] =	ssyncset.done $0x0  }
0x54: {  	[sflag:s16] =	ssyncadd.s32 $0xFFFFC000  }
0x55: {  	_ =	swait.ge [sflag:s16], $0x4000  }
0x56: {  	[sflag:s16] =	ssyncset.done $0x0  }
0x57: {  	[sflag:s16] =	ssyncadd.s32 $0xFFFFC000  }
0x58: {  	[hbm4b:s17+s3] =	stream.linear.scatter [tilespmem:s9], [sflag:$0x2], $0x10000, $0x38;
	[tilespmem:$0x10400] =	vst v63  }
0x59: {  	_ =	swait.ge [sflag:s4], $0x10000  }
0x5a: {  	[sflag:s4] =	ssyncset.done $0x0  }
0x5b: {  	[sflag:s4] =	ssyncadd.s32 $0xFFFF0000  }
0x5c: {  	[tilespmem:s9], [sflag:$0x1] =	stream.indirect.gather [hbm4b:s18+s8], $0x80, s3, s8, $0xb8;
	[tilespmem:$0x10400] =	vst v63  }
0x5d: {  	_ = 	snop  }
0x5e: {  	[tilespmem:s11], [sflag:$0x1] =	stream.indirect.gather [hbm4b:s18+s8], $0x80, s8, s8, $0xb8;
	[tilespmem:$0x10400] =	vst v63  }
0x5f: {  	_ = 	snop  }
0x60: {  	[tilespmem:s13], [sflag:$0x1] =	stream.indirect.gather [hbm4b:s18+s8], $0x80, s19, s8, $0xb8;
	[tilespmem:$0x10400] =	vst v63  }
0x61: {  	_ = 	snop  }
0x62: {  	[tilespmem:s15], [sflag:$0x1] =	stream.indirect.gather [hbm4b:s18+s8], $0x80, s20, s8, $0xb8;
	[tilespmem:$0x10400] =	vst v63  }
0x63: {  	_ =	swait.ge [sflag:s16], $0x4000  }
0x64: {  	[sflag:s16] =	ssyncset.done $0x0  }
0x65: {  	[sflag:s16] =	ssyncadd.s32 $0xFFFFC000  }
0x66: {  	_ =	swait.ge [sflag:s16], $0x4000  }
0x67: {  	[sflag:s16] =	ssyncset.done $0x0  }
0x68: {  	[sflag:s16] =	ssyncadd.s32 $0xFFFFC000  }
0x69: {  	_ =	swait.ge [sflag:s16], $0x4000  }
0x6a: {  	[sflag:s16] =	ssyncset.done $0x0  }
0x6b: {  	[sflag:s16] =	ssyncadd.s32 $0xFFFFC000  }
0x6c: {  	_ =	swait.ge [sflag:s16], $0x4000  }
.Ltmp1:
0x6d: {  	[sflag:s16] =	ssyncset.done $0x0;
	(pc) =	sbr.rel @p0 .LBB2_1-.Ltmp1, $4  }
0x6e: {  	[sflag:s16] =	ssyncadd.s32 $0xFFFFC000  }
0x6f: {  	[hbm4b:s21+s3] =	stream.linear.scatter [tilespmem:s9], [sflag:$0x2], $0x10000, $0x38;
	[tilespmem:$0x10400] =	vst v63  }
0x70: {  	_ =	swait.ge [sflag:s4], $0x10000  }
0x71: {  	[sflag:s4] =	ssyncset.done $0x0  }
.LBB2_2:
0x72: {  	[sflag:s4] =	ssyncadd.s32 $0xFFFF0000  }
0x73: {  	_ =	sfence.sel $0x180000  }
0x74: {  	[bflag:$0x0] =	sbarrier.arrive $0xFFFF  }
0x75: {  	p0 =	sne.s32 s0, $0x0;
	_ =	strace $0x90000047  }
0x76: {  	s0 =	sadd.s32 @!p0 $0x100000, s1;
	[bflag:$0x2] =	sbarrier.arrive $0xFFFF  }
0x77: {  	[sflag:s0] =	ssyncadd.tile.s32 @!p0 $0x1;
	_ =	shalt  }
.Lfunc_end2:
_tile_overlayer_lowered:
.L_overlay_start_2:
0x78: {  	(tag) =	ssettag $0x2  }
0x79: {  	s0 =	rddreg [dreg:$0x0];
	s2 =	stileid.u32  }
0x7a: {  	s1 =	rddreg [dreg:$0x1];
	p0 =	sne.s32 s2, $0x0  }
0x7b: {  	s3 =	rddreg [dreg:$0x2];
	[bflag:$0x3] =	sbarrier.arrive $0xFFFF;
	s2 =	simm.s32 @!p0 $0x1C02  }
0x7c: {  	[timem:s3], [sflag:s2] =	dma.local @!p0 [hbm:s0], s1  }
0x7d: {  	s0 =	simm.s32 @!p0 $0x2  }
0x7e: {  	_ =	swait.ge @!p0 [sflag:s0], s1  }
0x7f: {  	s1 =	ssub.s32 @!p0 $0x0, s1;
	[sflag:s0] =	ssyncset.done @!p0 $0x0  }
0x80: {  	[sflag:s0] =	ssyncadd.s32 @!p0 s1  }
0x81: {  	[bflag:$0x3] =	sbarrier.arrive $0xFFFF  }
0x82: {  	_ =	shalt  }

</sc_bundles>
